<compile_context>
chip_gen: v7x
topology: tpu7x:2x2x1
jax: 0.10.2.dev20260603
libtpu: 0.0.44.dev20260713+nightly
codegen_flags: <defaults>
</compile_context>

<pallas_src>
import functools

import jax
import jax.numpy as jnp
from jax import lax
from jax.experimental import pallas as pl
from jax.experimental.pallas import tpu as pltpu, tpu_sc as plsc

NUM_CORES = 2
NUM_SUBCORES = 16
LANES = 16
NW = NUM_CORES * NUM_SUBCORES

BATCH = 16384
EMBED = 64
PACK = 2 * EMBED
B_PER_W = BATCH // NW
CHUNK = 128
NCHUNK = B_PER_W // CHUNK


def _make_kernel():
    mesh = plsc.VectorSubcoreMesh(
        core_axis_name="c", subcore_axis_name="s", num_cores=NUM_CORES)

    @functools.partial(
        pl.kernel,
        mesh=mesh,
        out_type=jax.ShapeDtypeStruct((NW, B_PER_W), jnp.float32),
        scratch_types=[
            pltpu.VMEM((B_PER_W + LANES,), jnp.int32),
            pltpu.VMEM((B_PER_W + LANES,), jnp.int32),
            pltpu.VMEM((NCHUNK, CHUNK), jnp.int32),
            pltpu.VMEM((NCHUNK, CHUNK), jnp.int32),
            pltpu.VMEM((2, CHUNK, PACK), jnp.float32),
            pltpu.VMEM((2, CHUNK, PACK), jnp.float32),
            pltpu.VMEM((B_PER_W,), jnp.float32),
            pltpu.SemaphoreType.DMA,
            pltpu.SemaphoreType.DMA,
        ],
    )
    def dot_kernel(uids_hbm, iids_hbm, utab_hbm, itab_hbm, out_hbm,
                   uid_v, iid_v, upk_v, ipk_v,
                   urows_v, irows_v, out_v, sem0, sem1):
        wid = lax.axis_index("s") * NUM_CORES + lax.axis_index("c")

        pltpu.sync_copy(uids_hbm.at[wid], uid_v.at[pl.ds(0, B_PER_W)])
        pltpu.sync_copy(iids_hbm.at[wid], iid_v.at[pl.ds(0, B_PER_W)])

        def pk_body(t, carry):
            ids_u = uid_v[pl.ds(t * LANES, LANES)]
            ids_i = iid_v[pl.ds(t * LANES, LANES)]
            c = t // (CHUNK // LANES)
            o = (t % (CHUNK // LANES)) * LANES
            upk_v[c, pl.ds(o, LANES)] = lax.shift_right_logical(ids_u, 1)
            ipk_v[c, pl.ds(o, LANES)] = lax.shift_right_logical(ids_i, 1)
            return carry

        lax.fori_loop(0, B_PER_W // LANES, pk_body, 0)

        sems = (sem0, sem1)

        def fire(c):
            sem = sems[c % 2]
            buf = c % 2
            return [
                pltpu.async_copy(utab_hbm.at[upk_v.at[c]], urows_v.at[buf], sem),
                pltpu.async_copy(itab_hbm.at[ipk_v.at[c]], irows_v.at[buf], sem),
            ]

        lane_ids = lax.iota(jnp.int32, LANES)
        perms = [(lane_ids + sh) % LANES for sh in (8, 4, 2, 1)]
        dnums = lax.GatherDimensionNumbers(
            offset_dims=(), collapsed_slice_dims=(0,), start_index_map=(0,))

        def lane_sum(x):
            for perm in perms:
                rot = lax.gather(
                    x, perm[:, None], dnums, (1,),
                    mode=lax.GatherScatterMode.PROMISE_IN_BOUNDS)
                x = x + rot
            return x

        def compute(c):
            buf = c % 2

            def group_body(g, carry):
                def row_body(j, acc):
                    b = g * LANES + j
                    uid_b = uid_v[pl.ds(c * CHUNK + b, LANES)][0]
                    iid_b = iid_v[pl.ds(c * CHUNK + b, LANES)][0]
                    uoff = jnp.bitwise_and(uid_b, 1) * EMBED
                    ioff = jnp.bitwise_and(iid_b, 1) * EMBED
                    s = None
                    for q in range(EMBED // LANES):
                        u = urows_v[buf, b, pl.ds(uoff + q * LANES, LANES)]
                        v = irows_v[buf, b, pl.ds(ioff + q * LANES, LANES)]
                        p = u * v
                        s = p if s is None else s + p
                    dot = lane_sum(s)
                    return jnp.where(lane_ids == j, dot, acc)

                accv = lax.fori_loop(0, LANES, row_body,
                                     jnp.zeros((LANES,), jnp.float32))
                out_v[pl.ds(c * CHUNK + g * LANES, LANES)] = accv
                return carry

            lax.fori_loop(0, CHUNK // LANES, group_body, 0)

        inflight = fire(0)
        for c in range(NCHUNK):
            if c + 1 < NCHUNK:
                nxt = fire(c + 1)
            for cp in inflight:
                cp.wait()
            compute(c)
            if c + 1 < NCHUNK:
                inflight = nxt

        pltpu.sync_copy(out_v, out_hbm.at[wid])

    return dot_kernel


@jax.jit
def kernel(user_ids, item_ids, user_table, item_table):
    uids = user_ids.astype(jnp.int32).reshape(NW, B_PER_W)
    iids = item_ids.astype(jnp.int32).reshape(NW, B_PER_W)
    ut2 = user_table.reshape(user_table.shape[0] // 2, PACK)
    it2 = item_table.reshape(item_table.shape[0] // 2, PACK)
    fn = _make_kernel()
    out = fn(uids, iids, ut2, it2)
    return out.reshape(BATCH)

# --- scband reference (transcript-rebuilt; emitter-appended) ---
"""Pipeline reference for scband-recommender-net-858993459329 (READ-ONLY COPY).

The authoritative reference and input builder live on the scoring server;
editing this copy changes nothing except your own understanding.
"""

import jax, jax.numpy as jnp
import numpy as np

NUM_USERS = 1000000
NUM_ITEMS = 1000000
EMBED = 64
BATCH = 16384

def setup_inputs(seed: int = 0) -> dict:
    key = jax.random.key(seed)
    k1, k2, k3, k4 = jax.random.split(key, 4)
    user_ids = jax.random.randint(k1, (BATCH,), 0, NUM_USERS, dtype=jnp.int64) if jax.config.jax_enable_x64 else jax.random.randint(k1, (BATCH,), 0, NUM_USERS, dtype=jnp.int32)
    item_ids = jax.random.randint(k2, (BATCH,), 0, NUM_ITEMS, dtype=jnp.int32)
    user_table = jax.random.normal(k3, (NUM_USERS, EMBED), dtype=jnp.float32)
    item_table = jax.random.normal(k4, (NUM_ITEMS, EMBED), dtype=jnp.float32)
    return {"user_ids": user_ids, "item_ids": item_ids, "user_table": user_table, "item_table": item_table}

def reference(user_ids, item_ids, user_table, item_table):
    # user_vecs = self.user_embedding(user_ids)
    user_vecs = jnp.take(user_table, user_ids, axis=0)
    # item_vecs = self.item_embedding(item_ids)
    item_vecs = jnp.take(item_table, item_ids, axis=0)
    # (user_vecs * item_vecs).sum(dim=1)
    return (user_vecs * item_vecs).sum(axis=1)

if __name__ == "__main__":
    import jax
    _d = setup_inputs()
    print(jax.jit(kernel)(*tuple(_d.values())))

</pallas_src>

<mosaic_0001>
#map = affine_map<(d0, d1) -> (0, 0)>
module attributes {stable_mosaic.version = 14 : i64} {
  func.func @dot_kernel(%arg0: i32, %arg1: i32, %arg2: memref<32x512xi32, #tpu.memory_space<hbm>>, %arg3: memref<32x512xi32, #tpu.memory_space<hbm>>, %arg4: memref<500000x128xf32, #tpu.memory_space<hbm>>, %arg5: memref<500000x128xf32, #tpu.memory_space<hbm>>, %arg6: memref<32x512xf32, #tpu.memory_space<hbm>>, %arg7: memref<528xi32, #tpu.memory_space<vmem>>, %arg8: memref<528xi32, #tpu.memory_space<vmem>>, %arg9: memref<4x128xi32, #tpu.memory_space<vmem>>, %arg10: memref<4x128xi32, #tpu.memory_space<vmem>>, %arg11: memref<2x128x128xf32, #tpu.memory_space<vmem>>, %arg12: memref<2x128x128xf32, #tpu.memory_space<vmem>>, %arg13: memref<512xf32, #tpu.memory_space<vmem>>, %arg14: memref<!tpu.dma_semaphore, #tpu.memory_space<semaphore_mem>>, %arg15: memref<!tpu.dma_semaphore, #tpu.memory_space<semaphore_mem>>) attributes {dimension_semantics = [#tpu.dimension_semantics<core_parallel>, #tpu.dimension_semantics<subcore_parallel>], iteration_bounds = array<i64: 2, 16>, scalar_prefetch = 0 : i64, scratch_operands = 9 : i64, tpu.core_type = #tpu.core_type<sc_vector_subcore>, window_params = [{transform_indices = #map}, {transform_indices = #map}, {transform_indices = #map}, {transform_indices = #map}, {transform_indices = #map}]} {
    %mul3A = arith.constant 2 : i32
    %mul3A_0 = arith.muli %arg1, %mul3A : i32
    %add3A = arith.addi %mul3A_0, %arg0 : i32
    "tpu.region"() ({
      %run_scoped3A = tpu.sem_alloc : memref<!tpu.dma_semaphore, #tpu.memory_space<semaphore_mem>>
      %dma_start3A_313 = arith.constant 0 : i32
      %dma_start3A_314 = tpu.memref_slice %arg7[%dma_start3A_313] : memref<528xi32, #tpu.memory_space<vmem>> -> memref<512xi32, #tpu.memory_space<vmem>>
      %dma_start3A_315 = arith.constant 0 : i32
      %dma_start3A_316 = tpu.memref_slice %arg2[%add3A, %dma_start3A_315] : memref<32x512xi32, #tpu.memory_space<hbm>> -> memref<1x512xi32, #tpu.memory_space<hbm>>
      %dma_start3A_317 = tpu.memref_squeeze %dma_start3A_316 : memref<1x512xi32, #tpu.memory_space<hbm>> -> memref<512xi32, #tpu.memory_space<hbm>>
      %dma_start3A_318 = arith.constant 0 : i32
      %dma_start3A_319 = tpu.memref_slice %arg7[%dma_start3A_318] : memref<528xi32, #tpu.memory_space<vmem>> -> memref<512xi32, #tpu.memory_space<vmem>>
      %dma_start3A_320 = arith.constant 0 : i32
      %dma_start3A_321 = tpu.memref_slice %arg2[%add3A, %dma_start3A_320] : memref<32x512xi32, #tpu.memory_space<hbm>> -> memref<1x512xi32, #tpu.memory_space<hbm>>
      %dma_start3A_322 = tpu.memref_squeeze %dma_start3A_321 : memref<1x512xi32, #tpu.memory_space<hbm>> -> memref<512xi32, #tpu.memory_space<hbm>>
      tpu.enqueue_dma source(%dma_start3A_322 : memref<512xi32, #tpu.memory_space<hbm>>) target(%dma_start3A_319 : memref<512xi32, #tpu.memory_space<vmem>>) target_semaphore(%run_scoped3A : memref<!tpu.dma_semaphore, #tpu.memory_space<semaphore_mem>>)
      %dma_wait3A_323 = arith.constant 0 : i32
      %dma_wait3A_324 = tpu.memref_slice %arg7[%dma_wait3A_323] : memref<528xi32, #tpu.memory_space<vmem>> -> memref<512xi32, #tpu.memory_space<vmem>>
      %dma_wait3A_325 = arith.constant 0 : i32
      %dma_wait3A_326 = tpu.memref_slice %arg2[%add3A, %dma_wait3A_325] : memref<32x512xi32, #tpu.memory_space<hbm>> -> memref<1x512xi32, #tpu.memory_space<hbm>>
      %dma_wait3A_327 = tpu.memref_squeeze %dma_wait3A_326 : memref<1x512xi32, #tpu.memory_space<hbm>> -> memref<512xi32, #tpu.memory_space<hbm>>
      %dma_wait3A_328 = arith.constant 0 : i32
      %dma_wait3A_329 = tpu.memref_slice %arg7[%dma_wait3A_328] : memref<528xi32, #tpu.memory_space<vmem>> -> memref<512xi32, #tpu.memory_space<vmem>>
      %dma_wait3A_330 = arith.constant 0 : i32
      %dma_wait3A_331 = tpu.memref_slice %arg2[%add3A, %dma_wait3A_330] : memref<32x512xi32, #tpu.memory_space<hbm>> -> memref<1x512xi32, #tpu.memory_space<hbm>>
      %dma_wait3A_332 = tpu.memref_squeeze %dma_wait3A_331 : memref<1x512xi32, #tpu.memory_space<hbm>> -> memref<512xi32, #tpu.memory_space<hbm>>
      tpu.wait_dma2 semaphore(%run_scoped3A : memref<!tpu.dma_semaphore, #tpu.memory_space<semaphore_mem>>) src(%dma_wait3A_332 : memref<512xi32, #tpu.memory_space<hbm>>) dst(%dma_wait3A_329 : memref<512xi32, #tpu.memory_space<vmem>>)
      tpu.yield
    }) : () -> ()
    "tpu.region"() ({
      %run_scoped3A = tpu.sem_alloc : memref<!tpu.dma_semaphore, #tpu.memory_space<semaphore_mem>>
      %dma_start3A_313 = arith.constant 0 : i32
      %dma_start3A_314 = tpu.memref_slice %arg8[%dma_start3A_313] : memref<528xi32, #tpu.memory_space<vmem>> -> memref<512xi32, #tpu.memory_space<vmem>>
      %dma_start3A_315 = arith.constant 0 : i32
      %dma_start3A_316 = tpu.memref_slice %arg3[%add3A, %dma_start3A_315] : memref<32x512xi32, #tpu.memory_space<hbm>> -> memref<1x512xi32, #tpu.memory_space<hbm>>
      %dma_start3A_317 = tpu.memref_squeeze %dma_start3A_316 : memref<1x512xi32, #tpu.memory_space<hbm>> -> memref<512xi32, #tpu.memory_space<hbm>>
      %dma_start3A_318 = arith.constant 0 : i32
      %dma_start3A_319 = tpu.memref_slice %arg8[%dma_start3A_318] : memref<528xi32, #tpu.memory_space<vmem>> -> memref<512xi32, #tpu.memory_space<vmem>>
      %dma_start3A_320 = arith.constant 0 : i32
      %dma_start3A_321 = tpu.memref_slice %arg3[%add3A, %dma_start3A_320] : memref<32x512xi32, #tpu.memory_space<hbm>> -> memref<1x512xi32, #tpu.memory_space<hbm>>
      %dma_start3A_322 = tpu.memref_squeeze %dma_start3A_321 : memref<1x512xi32, #tpu.memory_space<hbm>> -> memref<512xi32, #tpu.memory_space<hbm>>
      tpu.enqueue_dma source(%dma_start3A_322 : memref<512xi32, #tpu.memory_space<hbm>>) target(%dma_start3A_319 : memref<512xi32, #tpu.memory_space<vmem>>) target_semaphore(%run_scoped3A : memref<!tpu.dma_semaphore, #tpu.memory_space<semaphore_mem>>)
      %dma_wait3A_323 = arith.constant 0 : i32
      %dma_wait3A_324 = tpu.memref_slice %arg8[%dma_wait3A_323] : memref<528xi32, #tpu.memory_space<vmem>> -> memref<512xi32, #tpu.memory_space<vmem>>
      %dma_wait3A_325 = arith.constant 0 : i32
      %dma_wait3A_326 = tpu.memref_slice %arg3[%add3A, %dma_wait3A_325] : memref<32x512xi32, #tpu.memory_space<hbm>> -> memref<1x512xi32, #tpu.memory_space<hbm>>
      %dma_wait3A_327 = tpu.memref_squeeze %dma_wait3A_326 : memref<1x512xi32, #tpu.memory_space<hbm>> -> memref<512xi32, #tpu.memory_space<hbm>>
      %dma_wait3A_328 = arith.constant 0 : i32
      %dma_wait3A_329 = tpu.memref_slice %arg8[%dma_wait3A_328] : memref<528xi32, #tpu.memory_space<vmem>> -> memref<512xi32, #tpu.memory_space<vmem>>
      %dma_wait3A_330 = arith.constant 0 : i32
      %dma_wait3A_331 = tpu.memref_slice %arg3[%add3A, %dma_wait3A_330] : memref<32x512xi32, #tpu.memory_space<hbm>> -> memref<1x512xi32, #tpu.memory_space<hbm>>
      %dma_wait3A_332 = tpu.memref_squeeze %dma_wait3A_331 : memref<1x512xi32, #tpu.memory_space<hbm>> -> memref<512xi32, #tpu.memory_space<hbm>>
      tpu.wait_dma2 semaphore(%run_scoped3A : memref<!tpu.dma_semaphore, #tpu.memory_space<semaphore_mem>>) src(%dma_wait3A_332 : memref<512xi32, #tpu.memory_space<hbm>>) dst(%dma_wait3A_329 : memref<512xi32, #tpu.memory_space<vmem>>)
      tpu.yield
    }) : () -> ()
    %scan3A = arith.constant 0 : i32
    %scan3A_1 = arith.constant 0 : i32
    %scan3A_2 = arith.constant 32 : i32
    %scan3A_3 = arith.addi %scan3A_1, %scan3A_2 : i32
    %scan3A_4 = arith.constant 1 : i32
    scf.for %scan3A_313 = %scan3A_1 to %scan3A_3 step %scan3A_4  : i32 {
      %mul3A_314 = arith.constant 16 : i32
      %mul3A_315 = arith.muli %scan3A_313, %mul3A_314 : i32
      %get3A = arith.index_cast %mul3A_315 : i32 to index
      %get3A_316 = tpu.vector_load %arg7[%get3A] {strides = array<i32>} : memref<528xi32, #tpu.memory_space<vmem>>, vector<16xi32>,
      %get3A_317 = vector.shape_cast %get3A_316 : vector<16xi32> to vector<16xi32>
      %mul3A_318 = arith.constant 16 : i32
      %mul3A_319 = arith.muli %scan3A_313, %mul3A_318 : i32
      %get3A_320 = arith.index_cast %mul3A_319 : i32 to index
      %get3A_321 = tpu.vector_load %arg8[%get3A_320] {strides = array<i32>} : memref<528xi32, #tpu.memory_space<vmem>>, vector<16xi32>,
      %get3A_322 = vector.shape_cast %get3A_321 : vector<16xi32> to vector<16xi32>
      %jit3A_323 = arith.constant 8 : i32
      %div3A = arith.divsi %scan3A_313, %jit3A_323 : i32
      %sign3A = arith.constant 0 : i32
      %sign3A_324 = arith.cmpi sgt, %scan3A_313, %sign3A : i32
      %sign3A_325 = arith.extui %sign3A_324 : i1 to i32
      %sign3A_326 = arith.constant 0 : i32
      %sign3A_327 = arith.cmpi slt, %scan3A_313, %sign3A_326 : i32
      %sign3A_328 = arith.extui %sign3A_327 : i1 to i32
      %sign3A_329 = arith.subi %sign3A_325, %sign3A_328 : i32
      %sign3A_330 = arith.constant 0 : i32
      %sign3A_331 = arith.cmpi sgt, %jit3A_323, %sign3A_330 : i32
      %sign3A_332 = arith.extui %sign3A_331 : i1 to i32
      %sign3A_333 = arith.constant 0 : i32
      %sign3A_334 = arith.cmpi slt, %jit3A_323, %sign3A_333 : i32
      %sign3A_335 = arith.extui %sign3A_334 : i1 to i32
      %sign3A_336 = arith.subi %sign3A_332, %sign3A_335 : i32
      %ne3A_337 = arith.cmpi ne, %sign3A_329, %sign3A_336 : i32
      %rem3A_338 = arith.remsi %scan3A_313, %jit3A_323 : i32
      %ne3A_339 = arith.constant 0 : i32
      %ne3A_340 = arith.cmpi ne, %rem3A_338, %ne3A_339 : i32
      %and3A_341 = arith.andi %ne3A_337, %ne3A_340 : i1
      %sub3A = arith.constant 1 : i32
      %sub3A_342 = arith.subi %div3A, %sub3A : i32
      %select_n3A_343 = arith.select %and3A_341, %sub3A_342, %div3A : i32
      %jit3A_344 = arith.constant 8 : i32
      %eq3A_345 = arith.constant 0 : i32
      %eq3A_346 = arith.cmpi eq, %jit3A_344, %eq3A_345 : i32
      %jit3A_347 = arith.constant 1 : i32
      %select_n3A_348 = arith.select %eq3A_346, %jit3A_347, %jit3A_344 : i32
      %rem3A_349 = arith.remsi %scan3A_313, %select_n3A_348 : i32
      %ne3A_350 = arith.constant 0 : i32
      %ne3A_351 = arith.cmpi ne, %rem3A_349, %ne3A_350 : i32
      %lt3A_352 = arith.constant 0 : i32
      %lt3A_353 = arith.cmpi slt, %rem3A_349, %lt3A_352 : i32
      %lt3A_354 = arith.constant 0 : i32
      %lt3A_355 = arith.cmpi slt, %select_n3A_348, %lt3A_354 : i32
      %ne3A_356 = arith.xori %lt3A_353, %lt3A_355 : i1
      %and3A_357 = arith.andi %ne3A_356, %ne3A_351 : i1
      %add3A_358 = arith.addi %rem3A_349, %select_n3A_348 : i32
      %select_n3A_359 = arith.select %and3A_357, %add3A_358, %rem3A_349 : i32
      %mul3A_360 = arith.constant 16 : i32
      %mul3A_361 = arith.muli %select_n3A_359, %mul3A_360 : i32
      %shift_right_logical3A = arith.constant 1 : i32
      %shift_right_logical3A_362 = vector.broadcast %shift_right_logical3A : i32 to vector<16xi32>
      %shift_right_logical3A_363 = arith.shrui %get3A_317, %shift_right_logical3A_362 : vector<16xi32>
      %swap3A = arith.index_cast %select_n3A_343 : i32 to index
      %swap3A_364 = arith.index_cast %mul3A_361 : i32 to index
      %swap3A_365 = tpu.vector_load %arg9[%swap3A, %swap3A_364] {strides = array<i32>} : memref<4x128xi32, #tpu.memory_space<vmem>>, vector<1x16xi32>,
      %swap3A_366 = vector.shape_cast %swap3A_365 : vector<1x16xi32> to vector<16xi32>
      %swap3A_367 = vector.shape_cast %shift_right_logical3A_363 : vector<16xi32> to vector<1x16xi32>
      tpu.vector_store %arg9[%swap3A, %swap3A_364], %swap3A_367 {strides = array<i32>} : memref<4x128xi32, #tpu.memory_space<vmem>>, vector<1x16xi32>,
      %shift_right_logical3A_368 = arith.constant 1 : i32
      %shift_right_logical3A_369 = vector.broadcast %shift_right_logical3A_368 : i32 to vector<16xi32>
      %shift_right_logical3A_370 = arith.shrui %get3A_322, %shift_right_logical3A_369 : vector<16xi32>
      %swap3A_371 = arith.index_cast %select_n3A_343 : i32 to index
      %swap3A_372 = arith.index_cast %mul3A_361 : i32 to index
      %swap3A_373 = tpu.vector_load %arg10[%swap3A_371, %swap3A_372] {strides = array<i32>} : memref<4x128xi32, #tpu.memory_space<vmem>>, vector<1x16xi32>,
      %swap3A_374 = vector.shape_cast %swap3A_373 : vector<1x16xi32> to vector<16xi32>
      %swap3A_375 = vector.shape_cast %shift_right_logical3A_370 : vector<16xi32> to vector<1x16xi32>
      tpu.vector_store %arg10[%swap3A_371, %swap3A_372], %swap3A_375 {strides = array<i32>} : memref<4x128xi32, #tpu.memory_space<vmem>>, vector<1x16xi32>,
    }
    %scan3A_5 = arith.constant 32 : i32
    %iota3A = tpu.iota {dimensions = array<i32: 0>} : vector<16xi32>
    %add3A_6 = arith.constant 8 : i32
    %add3A_7 = vector.broadcast %add3A_6 : i32 to vector<16xi32>
    %add3A_8 = arith.addi %iota3A, %add3A_7 : vector<16xi32>
    %jit3A = arith.constant 16 : i32
    %eq3A = arith.constant 0 : i32
    %eq3A_9 = arith.cmpi eq, %jit3A, %eq3A : i32
    %jit3A_10 = arith.constant 1 : i32
    %select_n3A = arith.select %eq3A_9, %jit3A_10, %jit3A : i32
    %rem3A = vector.broadcast %select_n3A : i32 to vector<16xi32>
    %rem3A_11 = arith.remsi %add3A_8, %rem3A : vector<16xi32>
    %ne3A = arith.constant 0 : i32
    %ne3A_12 = vector.broadcast %ne3A : i32 to vector<16xi32>
    %ne3A_13 = arith.cmpi ne, %rem3A_11, %ne3A_12 : vector<16xi32>
    %lt3A = arith.constant 0 : i32
    %lt3A_14 = vector.broadcast %lt3A : i32 to vector<16xi32>
    %lt3A_15 = arith.cmpi slt, %rem3A_11, %lt3A_14 : vector<16xi32>
    %lt3A_16 = arith.constant 0 : i32
    %lt3A_17 = arith.cmpi slt, %select_n3A, %lt3A_16 : i32
    %ne3A_18 = vector.broadcast %lt3A_17 : i1 to vector<16xi1>
    %ne3A_19 = vector.broadcast %ne3A_18 : vector<16xi1> to vector<16xi1>
    %ne3A_20 = arith.xori %lt3A_15, %ne3A_19 : vector<16xi1>
    %and3A = arith.andi %ne3A_20, %ne3A_13 : vector<16xi1>
    %add3A_21 = vector.broadcast %select_n3A : i32 to vector<16xi32>
    %add3A_22 = arith.addi %rem3A_11, %add3A_21 : vector<16xi32>
    %select_n3A_23 = arith.select %and3A, %add3A_22, %rem3A_11 : vector<16xi1>, vector<16xi32>
    %add3A_24 = arith.constant 4 : i32
    %add3A_25 = vector.broadcast %add3A_24 : i32 to vector<16xi32>
    %add3A_26 = arith.addi %iota3A, %add3A_25 : vector<16xi32>
    %jit3A_27 = arith.constant 16 : i32
    %eq3A_28 = arith.constant 0 : i32
    %eq3A_29 = arith.cmpi eq, %jit3A_27, %eq3A_28 : i32
    %jit3A_30 = arith.constant 1 : i32
    %select_n3A_31 = arith.select %eq3A_29, %jit3A_30, %jit3A_27 : i32
    %rem3A_32 = vector.broadcast %select_n3A_31 : i32 to vector<16xi32>
    %rem3A_33 = arith.remsi %add3A_26, %rem3A_32 : vector<16xi32>
    %ne3A_34 = arith.constant 0 : i32
    %ne3A_35 = vector.broadcast %ne3A_34 : i32 to vector<16xi32>
    %ne3A_36 = arith.cmpi ne, %rem3A_33, %ne3A_35 : vector<16xi32>
    %lt3A_37 = arith.constant 0 : i32
    %lt3A_38 = vector.broadcast %lt3A_37 : i32 to vector<16xi32>
    %lt3A_39 = arith.cmpi slt, %rem3A_33, %lt3A_38 : vector<16xi32>
    %lt3A_40 = arith.constant 0 : i32
    %lt3A_41 = arith.cmpi slt, %select_n3A_31, %lt3A_40 : i32
    %ne3A_42 = vector.broadcast %lt3A_41 : i1 to vector<16xi1>
    %ne3A_43 = vector.broadcast %ne3A_42 : vector<16xi1> to vector<16xi1>
    %ne3A_44 = arith.xori %lt3A_39, %ne3A_43 : vector<16xi1>
    %and3A_45 = arith.andi %ne3A_44, %ne3A_36 : vector<16xi1>
    %add3A_46 = vector.broadcast %select_n3A_31 : i32 to vector<16xi32>
    %add3A_47 = arith.addi %rem3A_33, %add3A_46 : vector<16xi32>
    %select_n3A_48 = arith.select %and3A_45, %add3A_47, %rem3A_33 : vector<16xi1>, vector<16xi32>
    %add3A_49 = arith.constant 2 : i32
    %add3A_50 = vector.broadcast %add3A_49 : i32 to vector<16xi32>
    %add3A_51 = arith.addi %iota3A, %add3A_50 : vector<16xi32>
    %jit3A_52 = arith.constant 16 : i32
    %eq3A_53 = arith.constant 0 : i32
    %eq3A_54 = arith.cmpi eq, %jit3A_52, %eq3A_53 : i32
    %jit3A_55 = arith.constant 1 : i32
    %select_n3A_56 = arith.select %eq3A_54, %jit3A_55, %jit3A_52 : i32
    %rem3A_57 = vector.broadcast %select_n3A_56 : i32 to vector<16xi32>
    %rem3A_58 = arith.remsi %add3A_51, %rem3A_57 : vector<16xi32>
    %ne3A_59 = arith.constant 0 : i32
    %ne3A_60 = vector.broadcast %ne3A_59 : i32 to vector<16xi32>
    %ne3A_61 = arith.cmpi ne, %rem3A_58, %ne3A_60 : vector<16xi32>
    %lt3A_62 = arith.constant 0 : i32
    %lt3A_63 = vector.broadcast %lt3A_62 : i32 to vector<16xi32>
    %lt3A_64 = arith.cmpi slt, %rem3A_58, %lt3A_63 : vector<16xi32>
    %lt3A_65 = arith.constant 0 : i32
    %lt3A_66 = arith.cmpi slt, %select_n3A_56, %lt3A_65 : i32
    %ne3A_67 = vector.broadcast %lt3A_66 : i1 to vector<16xi1>
    %ne3A_68 = vector.broadcast %ne3A_67 : vector<16xi1> to vector<16xi1>
    %ne3A_69 = arith.xori %lt3A_64, %ne3A_68 : vector<16xi1>
    %and3A_70 = arith.andi %ne3A_69, %ne3A_61 : vector<16xi1>
    %add3A_71 = vector.broadcast %select_n3A_56 : i32 to vector<16xi32>
    %add3A_72 = arith.addi %rem3A_58, %add3A_71 : vector<16xi32>
    %select_n3A_73 = arith.select %and3A_70, %add3A_72, %rem3A_58 : vector<16xi1>, vector<16xi32>
    %add3A_74 = arith.constant 1 : i32
    %add3A_75 = vector.broadcast %add3A_74 : i32 to vector<16xi32>
    %add3A_76 = arith.addi %iota3A, %add3A_75 : vector<16xi32>
    %jit3A_77 = arith.constant 16 : i32
    %eq3A_78 = arith.constant 0 : i32
    %eq3A_79 = arith.cmpi eq, %jit3A_77, %eq3A_78 : i32
    %jit3A_80 = arith.constant 1 : i32
    %select_n3A_81 = arith.select %eq3A_79, %jit3A_80, %jit3A_77 : i32
    %rem3A_82 = vector.broadcast %select_n3A_81 : i32 to vector<16xi32>
    %rem3A_83 = arith.remsi %add3A_76, %rem3A_82 : vector<16xi32>
    %ne3A_84 = arith.constant 0 : i32
    %ne3A_85 = vector.broadcast %ne3A_84 : i32 to vector<16xi32>
    %ne3A_86 = arith.cmpi ne, %rem3A_83, %ne3A_85 : vector<16xi32>
    %lt3A_87 = arith.constant 0 : i32
    %lt3A_88 = vector.broadcast %lt3A_87 : i32 to vector<16xi32>
    %lt3A_89 = arith.cmpi slt, %rem3A_83, %lt3A_88 : vector<16xi32>
    %lt3A_90 = arith.constant 0 : i32
    %lt3A_91 = arith.cmpi slt, %select_n3A_81, %lt3A_90 : i32
    %ne3A_92 = vector.broadcast %lt3A_91 : i1 to vector<16xi1>
    %ne3A_93 = vector.broadcast %ne3A_92 : vector<16xi1> to vector<16xi1>
    %ne3A_94 = arith.xori %lt3A_89, %ne3A_93 : vector<16xi1>
    %and3A_95 = arith.andi %ne3A_94, %ne3A_86 : vector<16xi1>
    %add3A_96 = vector.broadcast %select_n3A_81 : i32 to vector<16xi32>
    %add3A_97 = arith.addi %rem3A_83, %add3A_96 : vector<16xi32>
    %select_n3A_98 = arith.select %and3A_95, %add3A_97, %rem3A_83 : vector<16xi1>, vector<16xi32>
    %dma_start3A = arith.constant 0 : i32
    %dma_start3A_99 = arith.constant 0 : i32
    %dma_start3A_100 = arith.constant 0 : i32
    %dma_start3A_101 = arith.constant 0 : i32
    %dma_start3A_102 = tpu.memref_slice %arg11[%dma_start3A_99, %dma_start3A_100, %dma_start3A_101] : memref<2x128x128xf32, #tpu.memory_space<vmem>> -> memref<1x128x128xf32, #tpu.memory_space<vmem>>
    %dma_start3A_103 = tpu.memref_squeeze %dma_start3A_102 : memref<1x128x128xf32, #tpu.memory_space<vmem>> -> memref<128x128xf32, #tpu.memory_space<vmem>>
    %dma_start3A_104 = arith.constant 0 : i32
    %dma_start3A_105 = tpu.memref_slice %arg9[%dma_start3A, %dma_start3A_104] : memref<4x128xi32, #tpu.memory_space<vmem>> -> memref<1x128xi32, #tpu.memory_space<vmem>>
    %dma_start3A_106 = tpu.memref_squeeze %dma_start3A_105 : memref<1x128xi32, #tpu.memory_space<vmem>> -> memref<128xi32, #tpu.memory_space<vmem>>
    %dma_start3A_107 = arith.constant 0 : i32
    %dma_start3A_108 = arith.constant 0 : i32
    %dma_start3A_109 = tpu.memref_slice %arg4[%dma_start3A_107, %dma_start3A_108] : memref<500000x128xf32, #tpu.memory_space<hbm>> -> memref<500000x128xf32, #tpu.memory_space<hbm>>
    tpu.enqueue_indirect_dma source(%dma_start3A_109 : memref<500000x128xf32, #tpu.memory_space<hbm>>) target(%dma_start3A_103 : memref<128x128xf32, #tpu.memory_space<vmem>>) offsets(%dma_start3A_106 : memref<128xi32, #tpu.memory_space<vmem>>) semaphore(%arg14 : memref<!tpu.dma_semaphore, #tpu.memory_space<semaphore_mem>>)
    %dma_start3A_110 = arith.constant 0 : i32
    %dma_start3A_111 = arith.constant 0 : i32
    %dma_start3A_112 = arith.constant 0 : i32
    %dma_start3A_113 = arith.constant 0 : i32
    %dma_start3A_114 = tpu.memref_slice %arg12[%dma_start3A_111, %dma_start3A_112, %dma_start3A_113] : memref<2x128x128xf32, #tpu.memory_space<vmem>> -> memref<1x128x128xf32, #tpu.memory_space<vmem>>
    %dma_start3A_115 = tpu.memref_squeeze %dma_start3A_114 : memref<1x128x128xf32, #tpu.memory_space<vmem>> -> memref<128x128xf32, #tpu.memory_space<vmem>>
    %dma_start3A_116 = arith.constant 0 : i32
    %dma_start3A_117 = tpu.memref_slice %arg10[%dma_start3A_110, %dma_start3A_116] : memref<4x128xi32, #tpu.memory_space<vmem>> -> memref<1x128xi32, #tpu.memory_space<vmem>>
    %dma_start3A_118 = tpu.memref_squeeze %dma_start3A_117 : memref<1x128xi32, #tpu.memory_space<vmem>> -> memref<128xi32, #tpu.memory_space<vmem>>
    %dma_start3A_119 = arith.constant 0 : i32
    %dma_start3A_120 = arith.constant 0 : i32
    %dma_start3A_121 = tpu.memref_slice %arg5[%dma_start3A_119, %dma_start3A_120] : memref<500000x128xf32, #tpu.memory_space<hbm>> -> memref<500000x128xf32, #tpu.memory_space<hbm>>
    tpu.enqueue_indirect_dma source(%dma_start3A_121 : memref<500000x128xf32, #tpu.memory_space<hbm>>) target(%dma_start3A_115 : memref<128x128xf32, #tpu.memory_space<vmem>>) offsets(%dma_start3A_118 : memref<128xi32, #tpu.memory_space<vmem>>) semaphore(%arg14 : memref<!tpu.dma_semaphore, #tpu.memory_space<semaphore_mem>>)
    %dma_start3A_122 = arith.constant 1 : i32
    %dma_start3A_123 = arith.constant 1 : i32
    %dma_start3A_124 = arith.constant 0 : i32
    %dma_start3A_125 = arith.constant 0 : i32
    %dma_start3A_126 = tpu.memref_slice %arg11[%dma_start3A_123, %dma_start3A_124, %dma_start3A_125] : memref<2x128x128xf32, #tpu.memory_space<vmem>> -> memref<1x128x128xf32, #tpu.memory_space<vmem>>
    %dma_start3A_127 = tpu.memref_squeeze %dma_start3A_126 : memref<1x128x128xf32, #tpu.memory_space<vmem>> -> memref<128x128xf32, #tpu.memory_space<vmem>>
    %dma_start3A_128 = arith.constant 0 : i32
    %dma_start3A_129 = tpu.memref_slice %arg9[%dma_start3A_122, %dma_start3A_128] : memref<4x128xi32, #tpu.memory_space<vmem>> -> memref<1x128xi32, #tpu.memory_space<vmem>>
    %dma_start3A_130 = tpu.memref_squeeze %dma_start3A_129 : memref<1x128xi32, #tpu.memory_space<vmem>> -> memref<128xi32, #tpu.memory_space<vmem>>
    %dma_start3A_131 = arith.constant 0 : i32
    %dma_start3A_132 = arith.constant 0 : i32
    %dma_start3A_133 = tpu.memref_slice %arg4[%dma_start3A_131, %dma_start3A_132] : memref<500000x128xf32, #tpu.memory_space<hbm>> -> memref<500000x128xf32, #tpu.memory_space<hbm>>
    tpu.enqueue_indirect_dma source(%dma_start3A_133 : memref<500000x128xf32, #tpu.memory_space<hbm>>) target(%dma_start3A_127 : memref<128x128xf32, #tpu.memory_space<vmem>>) offsets(%dma_start3A_130 : memref<128xi32, #tpu.memory_space<vmem>>) semaphore(%arg15 : memref<!tpu.dma_semaphore, #tpu.memory_space<semaphore_mem>>)
    %dma_start3A_134 = arith.constant 1 : i32
    %dma_start3A_135 = arith.constant 1 : i32
    %dma_start3A_136 = arith.constant 0 : i32
    %dma_start3A_137 = arith.constant 0 : i32
    %dma_start3A_138 = tpu.memref_slice %arg12[%dma_start3A_135, %dma_start3A_136, %dma_start3A_137] : memref<2x128x128xf32, #tpu.memory_space<vmem>> -> memref<1x128x128xf32, #tpu.memory_space<vmem>>
    %dma_start3A_139 = tpu.memref_squeeze %dma_start3A_138 : memref<1x128x128xf32, #tpu.memory_space<vmem>> -> memref<128x128xf32, #tpu.memory_space<vmem>>
    %dma_start3A_140 = arith.constant 0 : i32
    %dma_start3A_141 = tpu.memref_slice %arg10[%dma_start3A_134, %dma_start3A_140] : memref<4x128xi32, #tpu.memory_space<vmem>> -> memref<1x128xi32, #tpu.memory_space<vmem>>
    %dma_start3A_142 = tpu.memref_squeeze %dma_start3A_141 : memref<1x128xi32, #tpu.memory_space<vmem>> -> memref<128xi32, #tpu.memory_space<vmem>>
    %dma_start3A_143 = arith.constant 0 : i32
    %dma_start3A_144 = arith.constant 0 : i32
    %dma_start3A_145 = tpu.memref_slice %arg5[%dma_start3A_143, %dma_start3A_144] : memref<500000x128xf32, #tpu.memory_space<hbm>> -> memref<500000x128xf32, #tpu.memory_space<hbm>>
    tpu.enqueue_indirect_dma source(%dma_start3A_145 : memref<500000x128xf32, #tpu.memory_space<hbm>>) target(%dma_start3A_139 : memref<128x128xf32, #tpu.memory_space<vmem>>) offsets(%dma_start3A_142 : memref<128xi32, #tpu.memory_space<vmem>>) semaphore(%arg15 : memref<!tpu.dma_semaphore, #tpu.memory_space<semaphore_mem>>)
    %dma_wait3A = arith.constant 0 : i32
    %dma_wait3A_146 = arith.constant 0 : i32
    %dma_wait3A_147 = arith.constant 0 : i32
    %dma_wait3A_148 = arith.constant 0 : i32
    %dma_wait3A_149 = tpu.memref_slice %arg11[%dma_wait3A_146, %dma_wait3A_147, %dma_wait3A_148] : memref<2x128x128xf32, #tpu.memory_space<vmem>> -> memref<1x128x128xf32, #tpu.memory_space<vmem>>
    %dma_wait3A_150 = tpu.memref_squeeze %dma_wait3A_149 : memref<1x128x128xf32, #tpu.memory_space<vmem>> -> memref<128x128xf32, #tpu.memory_space<vmem>>
    %dma_wait3A_151 = arith.constant 0 : i32
    %dma_wait3A_152 = tpu.memref_slice %arg9[%dma_wait3A, %dma_wait3A_151] : memref<4x128xi32, #tpu.memory_space<vmem>> -> memref<1x128xi32, #tpu.memory_space<vmem>>
    %dma_wait3A_153 = tpu.memref_squeeze %dma_wait3A_152 : memref<1x128xi32, #tpu.memory_space<vmem>> -> memref<128xi32, #tpu.memory_space<vmem>>
    %dma_wait3A_154 = arith.constant 0 : i32
    %dma_wait3A_155 = arith.constant 0 : i32
    %dma_wait3A_156 = tpu.memref_slice %arg4[%dma_wait3A_154, %dma_wait3A_155] : memref<500000x128xf32, #tpu.memory_space<hbm>> -> memref<500000x128xf32, #tpu.memory_space<hbm>>
    tpu.wait_indirect_dma semaphore(%arg14 : memref<!tpu.dma_semaphore, #tpu.memory_space<semaphore_mem>>) src(%dma_wait3A_156 : memref<500000x128xf32, #tpu.memory_space<hbm>>) dst(%dma_wait3A_150 : memref<128x128xf32, #tpu.memory_space<vmem>>)
    %dma_wait3A_157 = arith.constant 0 : i32
    %dma_wait3A_158 = arith.constant 0 : i32
    %dma_wait3A_159 = arith.constant 0 : i32
    %dma_wait3A_160 = arith.constant 0 : i32
    %dma_wait3A_161 = tpu.memref_slice %arg12[%dma_wait3A_158, %dma_wait3A_159, %dma_wait3A_160] : memref<2x128x128xf32, #tpu.memory_space<vmem>> -> memref<1x128x128xf32, #tpu.memory_space<vmem>>
    %dma_wait3A_162 = tpu.memref_squeeze %dma_wait3A_161 : memref<1x128x128xf32, #tpu.memory_space<vmem>> -> memref<128x128xf32, #tpu.memory_space<vmem>>
    %dma_wait3A_163 = arith.constant 0 : i32
    %dma_wait3A_164 = tpu.memref_slice %arg10[%dma_wait3A_157, %dma_wait3A_163] : memref<4x128xi32, #tpu.memory_space<vmem>> -> memref<1x128xi32, #tpu.memory_space<vmem>>
    %dma_wait3A_165 = tpu.memref_squeeze %dma_wait3A_164 : memref<1x128xi32, #tpu.memory_space<vmem>> -> memref<128xi32, #tpu.memory_space<vmem>>
    %dma_wait3A_166 = arith.constant 0 : i32
    %dma_wait3A_167 = arith.constant 0 : i32
    %dma_wait3A_168 = tpu.memref_slice %arg5[%dma_wait3A_166, %dma_wait3A_167] : memref<500000x128xf32, #tpu.memory_space<hbm>> -> memref<500000x128xf32, #tpu.memory_space<hbm>>
    tpu.wait_indirect_dma semaphore(%arg14 : memref<!tpu.dma_semaphore, #tpu.memory_space<semaphore_mem>>) src(%dma_wait3A_168 : memref<500000x128xf32, #tpu.memory_space<hbm>>) dst(%dma_wait3A_162 : memref<128x128xf32, #tpu.memory_space<vmem>>)
    %scan3A_169 = arith.constant 0 : i32
    %scan3A_170 = arith.constant 0 : i32
    %scan3A_171 = arith.constant 8 : i32
    %scan3A_172 = arith.addi %scan3A_170, %scan3A_171 : i32
    %scan3A_173 = arith.constant 1 : i32
    scf.for %scan3A_313 = %scan3A_170 to %scan3A_172 step %scan3A_173  : i32 {
      %broadcast_in_dim3A = arith.constant 0.000000e+00 : f32
      %broadcast_in_dim3A_314 = vector.broadcast %broadcast_in_dim3A : f32 to vector<16xf32>
      %scan3A_315 = arith.constant 0 : i32
      %scan3A_316 = arith.constant 16 : i32
      %scan3A_317 = arith.addi %scan3A_315, %scan3A_316 : i32
      %scan3A_318 = arith.constant 1 : i32
      %scan3A_319 = scf.for %scan3A_328 = %scan3A_315 to %scan3A_317 step %scan3A_318 iter_args(%scan3A_329 = %broadcast_in_dim3A_314) -> (vector<16xf32>)  : i32 {
        %mul3A_330 = arith.constant 16 : i32
        %mul3A_331 = arith.muli %scan3A_313, %mul3A_330 : i32
        %add3A_332 = arith.addi %mul3A_331, %scan3A_328 : i32
        %add3A_333 = arith.constant 0 : i32
        %add3A_334 = arith.addi %add3A_333, %add3A_332 : i32
        %get3A = arith.index_cast %add3A_334 : i32 to index
        %get3A_335 = tpu.vector_load %arg7[%get3A] {strides = array<i32>} : memref<528xi32, #tpu.memory_space<vmem>>, vector<16xi32>,
        %get3A_336 = vector.shape_cast %get3A_335 : vector<16xi32> to vector<16xi32>
        %slice3A = vector.extract_strided_slice %get3A_336 {offsets = [0], sizes = [1], strides = [1]} : vector<16xi32> to vector<1xi32>
        %squeeze3A = vector.extract %slice3A[0] : i32 from vector<1xi32>
        %add3A_337 = arith.constant 0 : i32
        %add3A_338 = arith.addi %add3A_337, %add3A_332 : i32
        %get3A_339 = arith.index_cast %add3A_338 : i32 to index
        %get3A_340 = tpu.vector_load %arg8[%get3A_339] {strides = array<i32>} : memref<528xi32, #tpu.memory_space<vmem>>, vector<16xi32>,
        %get3A_341 = vector.shape_cast %get3A_340 : vector<16xi32> to vector<16xi32>
        %slice3A_342 = vector.extract_strided_slice %get3A_341 {offsets = [0], sizes = [1], strides = [1]} : vector<16xi32> to vector<1xi32>
        %squeeze3A_343 = vector.extract %slice3A_342[0] : i32 from vector<1xi32>
        %and3A_344 = arith.constant 1 : i32
        %and3A_345 = arith.andi %squeeze3A, %and3A_344 : i32
        %mul3A_346 = arith.constant 64 : i32
        %mul3A_347 = arith.muli %and3A_345, %mul3A_346 : i32
        %and3A_348 = arith.constant 1 : i32
        %and3A_349 = arith.andi %squeeze3A_343, %and3A_348 : i32
        %mul3A_350 = arith.constant 64 : i32
        %mul3A_351 = arith.muli %and3A_349, %mul3A_350 : i32
        %add3A_352 = arith.constant 0 : i32
        %add3A_353 = arith.addi %mul3A_347, %add3A_352 : i32
        %get3A_354 = arith.constant 0 : i32
        %get3A_355 = arith.index_cast %get3A_354 : i32 to index
        %get3A_356 = arith.index_cast %add3A_332 : i32 to index
        %get3A_357 = arith.index_cast %add3A_353 : i32 to index
        %get3A_358 = tpu.vector_load %arg11[%get3A_355, %get3A_356, %get3A_357] {strides = array<i32>} : memref<2x128x128xf32, #tpu.memory_space<vmem>>, vector<1x1x16xf32>,
        %get3A_359 = vector.shape_cast %get3A_358 : vector<1x1x16xf32> to vector<16xf32>
        %add3A_360 = arith.constant 0 : i32
        %add3A_361 = arith.addi %mul3A_351, %add3A_360 : i32
        %get3A_362 = arith.constant 0 : i32
        %get3A_363 = arith.index_cast %get3A_362 : i32 to index
        %get3A_364 = arith.index_cast %add3A_332 : i32 to index
        %get3A_365 = arith.index_cast %add3A_361 : i32 to index
        %get3A_366 = tpu.vector_load %arg12[%get3A_363, %get3A_364, %get3A_365] {strides = array<i32>} : memref<2x128x128xf32, #tpu.memory_space<vmem>>, vector<1x1x16xf32>,
        %get3A_367 = vector.shape_cast %get3A_366 : vector<1x1x16xf32> to vector<16xf32>
        %mul3A_368 = arith.mulf %get3A_359, %get3A_367 : vector<16xf32>
        %add3A_369 = arith.constant 16 : i32
        %add3A_370 = arith.addi %mul3A_347, %add3A_369 : i32
        %get3A_371 = arith.constant 0 : i32
        %get3A_372 = arith.index_cast %get3A_371 : i32 to index
        %get3A_373 = arith.index_cast %add3A_332 : i32 to index
        %get3A_374 = arith.index_cast %add3A_370 : i32 to index
        %get3A_375 = tpu.vector_load %arg11[%get3A_372, %get3A_373, %get3A_374] {strides = array<i32>} : memref<2x128x128xf32, #tpu.memory_space<vmem>>, vector<1x1x16xf32>,
        %get3A_376 = vector.shape_cast %get3A_375 : vector<1x1x16xf32> to vector<16xf32>
        %add3A_377 = arith.constant 16 : i32
        %add3A_378 = arith.addi %mul3A_351, %add3A_377 : i32
        %get3A_379 = arith.constant 0 : i32
        %get3A_380 = arith.index_cast %get3A_379 : i32 to index
        %get3A_381 = arith.index_cast %add3A_332 : i32 to index
        %get3A_382 = arith.index_cast %add3A_378 : i32 to index
        %get3A_383 = tpu.vector_load %arg12[%get3A_380, %get3A_381, %get3A_382] {strides = array<i32>} : memref<2x128x128xf32, #tpu.memory_space<vmem>>, vector<1x1x16xf32>,
        %get3A_384 = vector.shape_cast %get3A_383 : vector<1x1x16xf32> to vector<16xf32>
        %mul3A_385 = arith.mulf %get3A_376, %get3A_384 : vector<16xf32>
        %add3A_386 = arith.addf %mul3A_368, %mul3A_385 : vector<16xf32>
        %add3A_387 = arith.constant 32 : i32
        %add3A_388 = arith.addi %mul3A_347, %add3A_387 : i32
        %get3A_389 = arith.constant 0 : i32
        %get3A_390 = arith.index_cast %get3A_389 : i32 to index
        %get3A_391 = arith.index_cast %add3A_332 : i32 to index
        %get3A_392 = arith.index_cast %add3A_388 : i32 to index
        %get3A_393 = tpu.vector_load %arg11[%get3A_390, %get3A_391, %get3A_392] {strides = array<i32>} : memref<2x128x128xf32, #tpu.memory_space<vmem>>, vector<1x1x16xf32>,
        %get3A_394 = vector.shape_cast %get3A_393 : vector<1x1x16xf32> to vector<16xf32>
        %add3A_395 = arith.constant 32 : i32
        %add3A_396 = arith.addi %mul3A_351, %add3A_395 : i32
        %get3A_397 = arith.constant 0 : i32
        %get3A_398 = arith.index_cast %get3A_397 : i32 to index
        %get3A_399 = arith.index_cast %add3A_332 : i32 to index
        %get3A_400 = arith.index_cast %add3A_396 : i32 to index
        %get3A_401 = tpu.vector_load %arg12[%get3A_398, %get3A_399, %get3A_400] {strides = array<i32>} : memref<2x128x128xf32, #tpu.memory_space<vmem>>, vector<1x1x16xf32>,
        %get3A_402 = vector.shape_cast %get3A_401 : vector<1x1x16xf32> to vector<16xf32>
        %mul3A_403 = arith.mulf %get3A_394, %get3A_402 : vector<16xf32>
        %add3A_404 = arith.addf %add3A_386, %mul3A_403 : vector<16xf32>
        %add3A_405 = arith.constant 48 : i32
        %add3A_406 = arith.addi %mul3A_347, %add3A_405 : i32
        %get3A_407 = arith.constant 0 : i32
        %get3A_408 = arith.index_cast %get3A_407 : i32 to index
        %get3A_409 = arith.index_cast %add3A_332 : i32 to index
        %get3A_410 = arith.index_cast %add3A_406 : i32 to index
        %get3A_411 = tpu.vector_load %arg11[%get3A_408, %get3A_409, %get3A_410] {strides = array<i32>} : memref<2x128x128xf32, #tpu.memory_space<vmem>>, vector<1x1x16xf32>,
        %get3A_412 = vector.shape_cast %get3A_411 : vector<1x1x16xf32> to vector<16xf32>
        %add3A_413 = arith.constant 48 : i32
        %add3A_414 = arith.addi %mul3A_351, %add3A_413 : i32
        %get3A_415 = arith.constant 0 : i32
        %get3A_416 = arith.index_cast %get3A_415 : i32 to index
        %get3A_417 = arith.index_cast %add3A_332 : i32 to index
        %get3A_418 = arith.index_cast %add3A_414 : i32 to index
        %get3A_419 = tpu.vector_load %arg12[%get3A_416, %get3A_417, %get3A_418] {strides = array<i32>} : memref<2x128x128xf32, #tpu.memory_space<vmem>>, vector<1x1x16xf32>,
        %get3A_420 = vector.shape_cast %get3A_419 : vector<1x1x16xf32> to vector<16xf32>
        %mul3A_421 = arith.mulf %get3A_412, %get3A_420 : vector<16xf32>
        %add3A_422 = arith.addf %add3A_404, %mul3A_421 : vector<16xf32>
        %broadcast_in_dim3A_423 = vector.shape_cast %select_n3A_23 : vector<16xi32> to vector<16x1xi32>
        %gather3A = vector.shape_cast %broadcast_in_dim3A_423 : vector<16x1xi32> to vector<16xi32>
        %gather3A_424 = tpu.dynamic_gather %add3A_422[%gather3A] in [0] : vector<16xf32>, vector<16xi32> -> vector<16xf32>
        %add3A_425 = arith.addf %add3A_422, %gather3A_424 : vector<16xf32>
        %broadcast_in_dim3A_426 = vector.shape_cast %select_n3A_48 : vector<16xi32> to vector<16x1xi32>
        %gather3A_427 = vector.shape_cast %broadcast_in_dim3A_426 : vector<16x1xi32> to vector<16xi32>
        %gather3A_428 = tpu.dynamic_gather %add3A_425[%gather3A_427] in [0] : vector<16xf32>, vector<16xi32> -> vector<16xf32>
        %add3A_429 = arith.addf %add3A_425, %gather3A_428 : vector<16xf32>
        %broadcast_in_dim3A_430 = vector.shape_cast %select_n3A_73 : vector<16xi32> to vector<16x1xi32>
        %gather3A_431 = vector.shape_cast %broadcast_in_dim3A_430 : vector<16x1xi32> to vector<16xi32>
        %gather3A_432 = tpu.dynamic_gather %add3A_429[%gather3A_431] in [0] : vector<16xf32>, vector<16xi32> -> vector<16xf32>
        %add3A_433 = arith.addf %add3A_429, %gather3A_432 : vector<16xf32>
        %broadcast_in_dim3A_434 = vector.shape_cast %select_n3A_98 : vector<16xi32> to vector<16x1xi32>
        %gather3A_435 = vector.shape_cast %broadcast_in_dim3A_434 : vector<16x1xi32> to vector<16xi32>
        %gather3A_436 = tpu.dynamic_gather %add3A_433[%gather3A_435] in [0] : vector<16xf32>, vector<16xi32> -> vector<16xf32>
        %add3A_437 = arith.addf %add3A_433, %gather3A_436 : vector<16xf32>
        %eq3A_438 = vector.broadcast %scan3A_328 : i32 to vector<16xi32>
        %eq3A_439 = arith.cmpi eq, %iota3A, %eq3A_438 : vector<16xi32>
        %select_n3A_440 = arith.select %eq3A_439, %add3A_437, %scan3A_329 : vector<16xi1>, vector<16xf32>
        scf.yield %select_n3A_440 : vector<16xf32>
      }
      %scan3A_320 = arith.constant 16 : i32
      %mul3A_321 = arith.constant 16 : i32
      %mul3A_322 = arith.muli %scan3A_313, %mul3A_321 : i32
      %add3A_323 = arith.constant 0 : i32
      %add3A_324 = arith.addi %add3A_323, %mul3A_322 : i32
      %swap3A = arith.index_cast %add3A_324 : i32 to index
      %swap3A_325 = tpu.vector_load %arg13[%swap3A] {strides = array<i32>} : memref<512xf32, #tpu.memory_space<vmem>>, vector<16xf32>,
      %swap3A_326 = vector.shape_cast %swap3A_325 : vector<16xf32> to vector<16xf32>
      %swap3A_327 = vector.shape_cast %scan3A_319 : vector<16xf32> to vector<16xf32>
      tpu.vector_store %arg13[%swap3A], %swap3A_327 {strides = array<i32>} : memref<512xf32, #tpu.memory_space<vmem>>, vector<16xf32>,
    }
    %scan3A_174 = arith.constant 8 : i32
    %dma_start3A_175 = arith.constant 2 : i32
    %dma_start3A_176 = arith.constant 0 : i32
    %dma_start3A_177 = arith.constant 0 : i32
    %dma_start3A_178 = arith.constant 0 : i32
    %dma_start3A_179 = tpu.memref_slice %arg11[%dma_start3A_176, %dma_start3A_177, %dma_start3A_178] : memref<2x128x128xf32, #tpu.memory_space<vmem>> -> memref<1x128x128xf32, #tpu.memory_space<vmem>>
    %dma_start3A_180 = tpu.memref_squeeze %dma_start3A_179 : memref<1x128x128xf32, #tpu.memory_space<vmem>> -> memref<128x128xf32, #tpu.memory_space<vmem>>
    %dma_start3A_181 = arith.constant 0 : i32
    %dma_start3A_182 = tpu.memref_slice %arg9[%dma_start3A_175, %dma_start3A_181] : memref<4x128xi32, #tpu.memory_space<vmem>> -> memref<1x128xi32, #tpu.memory_space<vmem>>
    %dma_start3A_183 = tpu.memref_squeeze %dma_start3A_182 : memref<1x128xi32, #tpu.memory_space<vmem>> -> memref<128xi32, #tpu.memory_space<vmem>>
    %dma_start3A_184 = arith.constant 0 : i32
    %dma_start3A_185 = arith.constant 0 : i32
    %dma_start3A_186 = tpu.memref_slice %arg4[%dma_start3A_184, %dma_start3A_185] : memref<500000x128xf32, #tpu.memory_space<hbm>> -> memref<500000x128xf32, #tpu.memory_space<hbm>>
    tpu.enqueue_indirect_dma source(%dma_start3A_186 : memref<500000x128xf32, #tpu.memory_space<hbm>>) target(%dma_start3A_180 : memref<128x128xf32, #tpu.memory_space<vmem>>) offsets(%dma_start3A_183 : memref<128xi32, #tpu.memory_space<vmem>>) semaphore(%arg14 : memref<!tpu.dma_semaphore, #tpu.memory_space<semaphore_mem>>)
    %dma_start3A_187 = arith.constant 2 : i32
    %dma_start3A_188 = arith.constant 0 : i32
    %dma_start3A_189 = arith.constant 0 : i32
    %dma_start3A_190 = arith.constant 0 : i32
    %dma_start3A_191 = tpu.memref_slice %arg12[%dma_start3A_188, %dma_start3A_189, %dma_start3A_190] : memref<2x128x128xf32, #tpu.memory_space<vmem>> -> memref<1x128x128xf32, #tpu.memory_space<vmem>>
    %dma_start3A_192 = tpu.memref_squeeze %dma_start3A_191 : memref<1x128x128xf32, #tpu.memory_space<vmem>> -> memref<128x128xf32, #tpu.memory_space<vmem>>
    %dma_start3A_193 = arith.constant 0 : i32
    %dma_start3A_194 = tpu.memref_slice %arg10[%dma_start3A_187, %dma_start3A_193] : memref<4x128xi32, #tpu.memory_space<vmem>> -> memref<1x128xi32, #tpu.memory_space<vmem>>
    %dma_start3A_195 = tpu.memref_squeeze %dma_start3A_194 : memref<1x128xi32, #tpu.memory_space<vmem>> -> memref<128xi32, #tpu.memory_space<vmem>>
    %dma_start3A_196 = arith.constant 0 : i32
    %dma_start3A_197 = arith.constant 0 : i32
    %dma_start3A_198 = tpu.memref_slice %arg5[%dma_start3A_196, %dma_start3A_197] : memref<500000x128xf32, #tpu.memory_space<hbm>> -> memref<500000x128xf32, #tpu.memory_space<hbm>>
    tpu.enqueue_indirect_dma source(%dma_start3A_198 : memref<500000x128xf32, #tpu.memory_space<hbm>>) target(%dma_start3A_192 : memref<128x128xf32, #tpu.memory_space<vmem>>) offsets(%dma_start3A_195 : memref<128xi32, #tpu.memory_space<vmem>>) semaphore(%arg14 : memref<!tpu.dma_semaphore, #tpu.memory_space<semaphore_mem>>)
    %dma_wait3A_199 = arith.constant 1 : i32
    %dma_wait3A_200 = arith.constant 1 : i32
    %dma_wait3A_201 = arith.constant 0 : i32
    %dma_wait3A_202 = arith.constant 0 : i32
    %dma_wait3A_203 = tpu.memref_slice %arg11[%dma_wait3A_200, %dma_wait3A_201, %dma_wait3A_202] : memref<2x128x128xf32, #tpu.memory_space<vmem>> -> memref<1x128x128xf32, #tpu.memory_space<vmem>>
    %dma_wait3A_204 = tpu.memref_squeeze %dma_wait3A_203 : memref<1x128x128xf32, #tpu.memory_space<vmem>> -> memref<128x128xf32, #tpu.memory_space<vmem>>
    %dma_wait3A_205 = arith.constant 0 : i32
    %dma_wait3A_206 = tpu.memref_slice %arg9[%dma_wait3A_199, %dma_wait3A_205] : memref<4x128xi32, #tpu.memory_space<vmem>> -> memref<1x128xi32, #tpu.memory_space<vmem>>
    %dma_wait3A_207 = tpu.memref_squeeze %dma_wait3A_206 : memref<1x128xi32, #tpu.memory_space<vmem>> -> memref<128xi32, #tpu.memory_space<vmem>>
    %dma_wait3A_208 = arith.constant 0 : i32
    %dma_wait3A_209 = arith.constant 0 : i32
    %dma_wait3A_210 = tpu.memref_slice %arg4[%dma_wait3A_208, %dma_wait3A_209] : memref<500000x128xf32, #tpu.memory_space<hbm>> -> memref<500000x128xf32, #tpu.memory_space<hbm>>
    tpu.wait_indirect_dma semaphore(%arg15 : memref<!tpu.dma_semaphore, #tpu.memory_space<semaphore_mem>>) src(%dma_wait3A_210 : memref<500000x128xf32, #tpu.memory_space<hbm>>) dst(%dma_wait3A_204 : memref<128x128xf32, #tpu.memory_space<vmem>>)
    %dma_wait3A_211 = arith.constant 1 : i32
    %dma_wait3A_212 = arith.constant 1 : i32
    %dma_wait3A_213 = arith.constant 0 : i32
    %dma_wait3A_214 = arith.constant 0 : i32
    %dma_wait3A_215 = tpu.memref_slice %arg12[%dma_wait3A_212, %dma_wait3A_213, %dma_wait3A_214] : memref<2x128x128xf32, #tpu.memory_space<vmem>> -> memref<1x128x128xf32, #tpu.memory_space<vmem>>
    %dma_wait3A_216 = tpu.memref_squeeze %dma_wait3A_215 : memref<1x128x128xf32, #tpu.memory_space<vmem>> -> memref<128x128xf32, #tpu.memory_space<vmem>>
    %dma_wait3A_217 = arith.constant 0 : i32
    %dma_wait3A_218 = tpu.memref_slice %arg10[%dma_wait3A_211, %dma_wait3A_217] : memref<4x128xi32, #tpu.memory_space<vmem>> -> memref<1x128xi32, #tpu.memory_space<vmem>>
    %dma_wait3A_219 = tpu.memref_squeeze %dma_wait3A_218 : memref<1x128xi32, #tpu.memory_space<vmem>> -> memref<128xi32, #tpu.memory_space<vmem>>
    %dma_wait3A_220 = arith.constant 0 : i32
    %dma_wait3A_221 = arith.constant 0 : i32
    %dma_wait3A_222 = tpu.memref_slice %arg5[%dma_wait3A_220, %dma_wait3A_221] : memref<500000x128xf32, #tpu.memory_space<hbm>> -> memref<500000x128xf32, #tpu.memory_space<hbm>>
    tpu.wait_indirect_dma semaphore(%arg15 : memref<!tpu.dma_semaphore, #tpu.memory_space<semaphore_mem>>) src(%dma_wait3A_222 : memref<500000x128xf32, #tpu.memory_space<hbm>>) dst(%dma_wait3A_216 : memref<128x128xf32, #tpu.memory_space<vmem>>)
    %scan3A_223 = arith.constant 0 : i32
    %scan3A_224 = arith.constant 0 : i32
    %scan3A_225 = arith.constant 8 : i32
    %scan3A_226 = arith.addi %scan3A_224, %scan3A_225 : i32
    %scan3A_227 = arith.constant 1 : i32
    scf.for %scan3A_313 = %scan3A_224 to %scan3A_226 step %scan3A_227  : i32 {
      %broadcast_in_dim3A = arith.constant 0.000000e+00 : f32
      %broadcast_in_dim3A_314 = vector.broadcast %broadcast_in_dim3A : f32 to vector<16xf32>
      %scan3A_315 = arith.constant 0 : i32
      %scan3A_316 = arith.constant 16 : i32
      %scan3A_317 = arith.addi %scan3A_315, %scan3A_316 : i32
      %scan3A_318 = arith.constant 1 : i32
      %scan3A_319 = scf.for %scan3A_328 = %scan3A_315 to %scan3A_317 step %scan3A_318 iter_args(%scan3A_329 = %broadcast_in_dim3A_314) -> (vector<16xf32>)  : i32 {
        %mul3A_330 = arith.constant 16 : i32
        %mul3A_331 = arith.muli %scan3A_313, %mul3A_330 : i32
        %add3A_332 = arith.addi %mul3A_331, %scan3A_328 : i32
        %add3A_333 = arith.constant 128 : i32
        %add3A_334 = arith.addi %add3A_333, %add3A_332 : i32
        %get3A = arith.index_cast %add3A_334 : i32 to index
        %get3A_335 = tpu.vector_load %arg7[%get3A] {strides = array<i32>} : memref<528xi32, #tpu.memory_space<vmem>>, vector<16xi32>,
        %get3A_336 = vector.shape_cast %get3A_335 : vector<16xi32> to vector<16xi32>
        %slice3A = vector.extract_strided_slice %get3A_336 {offsets = [0], sizes = [1], strides = [1]} : vector<16xi32> to vector<1xi32>
        %squeeze3A = vector.extract %slice3A[0] : i32 from vector<1xi32>
        %add3A_337 = arith.constant 128 : i32
        %add3A_338 = arith.addi %add3A_337, %add3A_332 : i32
        %get3A_339 = arith.index_cast %add3A_338 : i32 to index
        %get3A_340 = tpu.vector_load %arg8[%get3A_339] {strides = array<i32>} : memref<528xi32, #tpu.memory_space<vmem>>, vector<16xi32>,
        %get3A_341 = vector.shape_cast %get3A_340 : vector<16xi32> to vector<16xi32>
        %slice3A_342 = vector.extract_strided_slice %get3A_341 {offsets = [0], sizes = [1], strides = [1]} : vector<16xi32> to vector<1xi32>
        %squeeze3A_343 = vector.extract %slice3A_342[0] : i32 from vector<1xi32>
        %and3A_344 = arith.constant 1 : i32
        %and3A_345 = arith.andi %squeeze3A, %and3A_344 : i32
        %mul3A_346 = arith.constant 64 : i32
        %mul3A_347 = arith.muli %and3A_345, %mul3A_346 : i32
        %and3A_348 = arith.constant 1 : i32
        %and3A_349 = arith.andi %squeeze3A_343, %and3A_348 : i32
        %mul3A_350 = arith.constant 64 : i32
        %mul3A_351 = arith.muli %and3A_349, %mul3A_350 : i32
        %add3A_352 = arith.constant 0 : i32
        %add3A_353 = arith.addi %mul3A_347, %add3A_352 : i32
        %get3A_354 = arith.constant 1 : i32
        %get3A_355 = arith.index_cast %get3A_354 : i32 to index
        %get3A_356 = arith.index_cast %add3A_332 : i32 to index
        %get3A_357 = arith.index_cast %add3A_353 : i32 to index
        %get3A_358 = tpu.vector_load %arg11[%get3A_355, %get3A_356, %get3A_357] {strides = array<i32>} : memref<2x128x128xf32, #tpu.memory_space<vmem>>, vector<1x1x16xf32>,
        %get3A_359 = vector.shape_cast %get3A_358 : vector<1x1x16xf32> to vector<16xf32>
        %add3A_360 = arith.constant 0 : i32
        %add3A_361 = arith.addi %mul3A_351, %add3A_360 : i32
        %get3A_362 = arith.constant 1 : i32
        %get3A_363 = arith.index_cast %get3A_362 : i32 to index
        %get3A_364 = arith.index_cast %add3A_332 : i32 to index
        %get3A_365 = arith.index_cast %add3A_361 : i32 to index
        %get3A_366 = tpu.vector_load %arg12[%get3A_363, %get3A_364, %get3A_365] {strides = array<i32>} : memref<2x128x128xf32, #tpu.memory_space<vmem>>, vector<1x1x16xf32>,
        %get3A_367 = vector.shape_cast %get3A_366 : vector<1x1x16xf32> to vector<16xf32>
        %mul3A_368 = arith.mulf %get3A_359, %get3A_367 : vector<16xf32>
        %add3A_369 = arith.constant 16 : i32
        %add3A_370 = arith.addi %mul3A_347, %add3A_369 : i32
        %get3A_371 = arith.constant 1 : i32
        %get3A_372 = arith.index_cast %get3A_371 : i32 to index
        %get3A_373 = arith.index_cast %add3A_332 : i32 to index
        %get3A_374 = arith.index_cast %add3A_370 : i32 to index
        %get3A_375 = tpu.vector_load %arg11[%get3A_372, %get3A_373, %get3A_374] {strides = array<i32>} : memref<2x128x128xf32, #tpu.memory_space<vmem>>, vector<1x1x16xf32>,
        %get3A_376 = vector.shape_cast %get3A_375 : vector<1x1x16xf32> to vector<16xf32>
        %add3A_377 = arith.constant 16 : i32
        %add3A_378 = arith.addi %mul3A_351, %add3A_377 : i32
        %get3A_379 = arith.constant 1 : i32
        %get3A_380 = arith.index_cast %get3A_379 : i32 to index
        %get3A_381 = arith.index_cast %add3A_332 : i32 to index
        %get3A_382 = arith.index_cast %add3A_378 : i32 to index
        %get3A_383 = tpu.vector_load %arg12[%get3A_380, %get3A_381, %get3A_382] {strides = array<i32>} : memref<2x128x128xf32, #tpu.memory_space<vmem>>, vector<1x1x16xf32>,
        %get3A_384 = vector.shape_cast %get3A_383 : vector<1x1x16xf32> to vector<16xf32>
        %mul3A_385 = arith.mulf %get3A_376, %get3A_384 : vector<16xf32>
        %add3A_386 = arith.addf %mul3A_368, %mul3A_385 : vector<16xf32>
        %add3A_387 = arith.constant 32 : i32
        %add3A_388 = arith.addi %mul3A_347, %add3A_387 : i32
        %get3A_389 = arith.constant 1 : i32
        %get3A_390 = arith.index_cast %get3A_389 : i32 to index
        %get3A_391 = arith.index_cast %add3A_332 : i32 to index
        %get3A_392 = arith.index_cast %add3A_388 : i32 to index
        %get3A_393 = tpu.vector_load %arg11[%get3A_390, %get3A_391, %get3A_392] {strides = array<i32>} : memref<2x128x128xf32, #tpu.memory_space<vmem>>, vector<1x1x16xf32>,
        %get3A_394 = vector.shape_cast %get3A_393 : vector<1x1x16xf32> to vector<16xf32>
        %add3A_395 = arith.constant 32 : i32
        %add3A_396 = arith.addi %mul3A_351, %add3A_395 : i32
        %get3A_397 = arith.constant 1 : i32
        %get3A_398 = arith.index_cast %get3A_397 : i32 to index
        %get3A_399 = arith.index_cast %add3A_332 : i32 to index
        %get3A_400 = arith.index_cast %add3A_396 : i32 to index
        %get3A_401 = tpu.vector_load %arg12[%get3A_398, %get3A_399, %get3A_400] {strides = array<i32>} : memref<2x128x128xf32, #tpu.memory_space<vmem>>, vector<1x1x16xf32>,
        %get3A_402 = vector.shape_cast %get3A_401 : vector<1x1x16xf32> to vector<16xf32>
        %mul3A_403 = arith.mulf %get3A_394, %get3A_402 : vector<16xf32>
        %add3A_404 = arith.addf %add3A_386, %mul3A_403 : vector<16xf32>
        %add3A_405 = arith.constant 48 : i32
        %add3A_406 = arith.addi %mul3A_347, %add3A_405 : i32
        %get3A_407 = arith.constant 1 : i32
        %get3A_408 = arith.index_cast %get3A_407 : i32 to index
        %get3A_409 = arith.index_cast %add3A_332 : i32 to index
        %get3A_410 = arith.index_cast %add3A_406 : i32 to index
        %get3A_411 = tpu.vector_load %arg11[%get3A_408, %get3A_409, %get3A_410] {strides = array<i32>} : memref<2x128x128xf32, #tpu.memory_space<vmem>>, vector<1x1x16xf32>,
        %get3A_412 = vector.shape_cast %get3A_411 : vector<1x1x16xf32> to vector<16xf32>
        %add3A_413 = arith.constant 48 : i32
        %add3A_414 = arith.addi %mul3A_351, %add3A_413 : i32
        %get3A_415 = arith.constant 1 : i32
        %get3A_416 = arith.index_cast %get3A_415 : i32 to index
        %get3A_417 = arith.index_cast %add3A_332 : i32 to index
        %get3A_418 = arith.index_cast %add3A_414 : i32 to index
        %get3A_419 = tpu.vector_load %arg12[%get3A_416, %get3A_417, %get3A_418] {strides = array<i32>} : memref<2x128x128xf32, #tpu.memory_space<vmem>>, vector<1x1x16xf32>,
        %get3A_420 = vector.shape_cast %get3A_419 : vector<1x1x16xf32> to vector<16xf32>
        %mul3A_421 = arith.mulf %get3A_412, %get3A_420 : vector<16xf32>
        %add3A_422 = arith.addf %add3A_404, %mul3A_421 : vector<16xf32>
        %broadcast_in_dim3A_423 = vector.shape_cast %select_n3A_23 : vector<16xi32> to vector<16x1xi32>
        %gather3A = vector.shape_cast %broadcast_in_dim3A_423 : vector<16x1xi32> to vector<16xi32>
        %gather3A_424 = tpu.dynamic_gather %add3A_422[%gather3A] in [0] : vector<16xf32>, vector<16xi32> -> vector<16xf32>
        %add3A_425 = arith.addf %add3A_422, %gather3A_424 : vector<16xf32>
        %broadcast_in_dim3A_426 = vector.shape_cast %select_n3A_48 : vector<16xi32> to vector<16x1xi32>
        %gather3A_427 = vector.shape_cast %broadcast_in_dim3A_426 : vector<16x1xi32> to vector<16xi32>
        %gather3A_428 = tpu.dynamic_gather %add3A_425[%gather3A_427] in [0] : vector<16xf32>, vector<16xi32> -> vector<16xf32>
        %add3A_429 = arith.addf %add3A_425, %gather3A_428 : vector<16xf32>
        %broadcast_in_dim3A_430 = vector.shape_cast %select_n3A_73 : vector<16xi32> to vector<16x1xi32>
        %gather3A_431 = vector.shape_cast %broadcast_in_dim3A_430 : vector<16x1xi32> to vector<16xi32>
        %gather3A_432 = tpu.dynamic_gather %add3A_429[%gather3A_431] in [0] : vector<16xf32>, vector<16xi32> -> vector<16xf32>
        %add3A_433 = arith.addf %add3A_429, %gather3A_432 : vector<16xf32>
        %broadcast_in_dim3A_434 = vector.shape_cast %select_n3A_98 : vector<16xi32> to vector<16x1xi32>
        %gather3A_435 = vector.shape_cast %broadcast_in_dim3A_434 : vector<16x1xi32> to vector<16xi32>
        %gather3A_436 = tpu.dynamic_gather %add3A_433[%gather3A_435] in [0] : vector<16xf32>, vector<16xi32> -> vector<16xf32>
        %add3A_437 = arith.addf %add3A_433, %gather3A_436 : vector<16xf32>
        %eq3A_438 = vector.broadcast %scan3A_328 : i32 to vector<16xi32>
        %eq3A_439 = arith.cmpi eq, %iota3A, %eq3A_438 : vector<16xi32>
        %select_n3A_440 = arith.select %eq3A_439, %add3A_437, %scan3A_329 : vector<16xi1>, vector<16xf32>
        scf.yield %select_n3A_440 : vector<16xf32>
      }
      %scan3A_320 = arith.constant 16 : i32
      %mul3A_321 = arith.constant 16 : i32
      %mul3A_322 = arith.muli %scan3A_313, %mul3A_321 : i32
      %add3A_323 = arith.constant 128 : i32
      %add3A_324 = arith.addi %add3A_323, %mul3A_322 : i32
      %swap3A = arith.index_cast %add3A_324 : i32 to index
      %swap3A_325 = tpu.vector_load %arg13[%swap3A] {strides = array<i32>} : memref<512xf32, #tpu.memory_space<vmem>>, vector<16xf32>,
      %swap3A_326 = vector.shape_cast %swap3A_325 : vector<16xf32> to vector<16xf32>
      %swap3A_327 = vector.shape_cast %scan3A_319 : vector<16xf32> to vector<16xf32>
      tpu.vector_store %arg13[%swap3A], %swap3A_327 {strides = array<i32>} : memref<512xf32, #tpu.memory_space<vmem>>, vector<16xf32>,
    }
    %scan3A_228 = arith.constant 8 : i32
    %dma_start3A_229 = arith.constant 3 : i32
    %dma_start3A_230 = arith.constant 1 : i32
    %dma_start3A_231 = arith.constant 0 : i32
    %dma_start3A_232 = arith.constant 0 : i32
    %dma_start3A_233 = tpu.memref_slice %arg11[%dma_start3A_230, %dma_start3A_231, %dma_start3A_232] : memref<2x128x128xf32, #tpu.memory_space<vmem>> -> memref<1x128x128xf32, #tpu.memory_space<vmem>>
    %dma_start3A_234 = tpu.memref_squeeze %dma_start3A_233 : memref<1x128x128xf32, #tpu.memory_space<vmem>> -> memref<128x128xf32, #tpu.memory_space<vmem>>
    %dma_start3A_235 = arith.constant 0 : i32
    %dma_start3A_236 = tpu.memref_slice %arg9[%dma_start3A_229, %dma_start3A_235] : memref<4x128xi32, #tpu.memory_space<vmem>> -> memref<1x128xi32, #tpu.memory_space<vmem>>
    %dma_start3A_237 = tpu.memref_squeeze %dma_start3A_236 : memref<1x128xi32, #tpu.memory_space<vmem>> -> memref<128xi32, #tpu.memory_space<vmem>>
    %dma_start3A_238 = arith.constant 0 : i32
    %dma_start3A_239 = arith.constant 0 : i32
    %dma_start3A_240 = tpu.memref_slice %arg4[%dma_start3A_238, %dma_start3A_239] : memref<500000x128xf32, #tpu.memory_space<hbm>> -> memref<500000x128xf32, #tpu.memory_space<hbm>>
    tpu.enqueue_indirect_dma source(%dma_start3A_240 : memref<500000x128xf32, #tpu.memory_space<hbm>>) target(%dma_start3A_234 : memref<128x128xf32, #tpu.memory_space<vmem>>) offsets(%dma_start3A_237 : memref<128xi32, #tpu.memory_space<vmem>>) semaphore(%arg15 : memref<!tpu.dma_semaphore, #tpu.memory_space<semaphore_mem>>)
    %dma_start3A_241 = arith.constant 3 : i32
    %dma_start3A_242 = arith.constant 1 : i32
    %dma_start3A_243 = arith.constant 0 : i32
    %dma_start3A_244 = arith.constant 0 : i32
    %dma_start3A_245 = tpu.memref_slice %arg12[%dma_start3A_242, %dma_start3A_243, %dma_start3A_244] : memref<2x128x128xf32, #tpu.memory_space<vmem>> -> memref<1x128x128xf32, #tpu.memory_space<vmem>>
    %dma_start3A_246 = tpu.memref_squeeze %dma_start3A_245 : memref<1x128x128xf32, #tpu.memory_space<vmem>> -> memref<128x128xf32, #tpu.memory_space<vmem>>
    %dma_start3A_247 = arith.constant 0 : i32
    %dma_start3A_248 = tpu.memref_slice %arg10[%dma_start3A_241, %dma_start3A_247] : memref<4x128xi32, #tpu.memory_space<vmem>> -> memref<1x128xi32, #tpu.memory_space<vmem>>
    %dma_start3A_249 = tpu.memref_squeeze %dma_start3A_248 : memref<1x128xi32, #tpu.memory_space<vmem>> -> memref<128xi32, #tpu.memory_space<vmem>>
    %dma_start3A_250 = arith.constant 0 : i32
    %dma_start3A_251 = arith.constant 0 : i32
    %dma_start3A_252 = tpu.memref_slice %arg5[%dma_start3A_250, %dma_start3A_251] : memref<500000x128xf32, #tpu.memory_space<hbm>> -> memref<500000x128xf32, #tpu.memory_space<hbm>>
    tpu.enqueue_indirect_dma source(%dma_start3A_252 : memref<500000x128xf32, #tpu.memory_space<hbm>>) target(%dma_start3A_246 : memref<128x128xf32, #tpu.memory_space<vmem>>) offsets(%dma_start3A_249 : memref<128xi32, #tpu.memory_space<vmem>>) semaphore(%arg15 : memref<!tpu.dma_semaphore, #tpu.memory_space<semaphore_mem>>)
    %dma_wait3A_253 = arith.constant 2 : i32
    %dma_wait3A_254 = arith.constant 0 : i32
    %dma_wait3A_255 = arith.constant 0 : i32
    %dma_wait3A_256 = arith.constant 0 : i32
    %dma_wait3A_257 = tpu.memref_slice %arg11[%dma_wait3A_254, %dma_wait3A_255, %dma_wait3A_256] : memref<2x128x128xf32, #tpu.memory_space<vmem>> -> memref<1x128x128xf32, #tpu.memory_space<vmem>>
    %dma_wait3A_258 = tpu.memref_squeeze %dma_wait3A_257 : memref<1x128x128xf32, #tpu.memory_space<vmem>> -> memref<128x128xf32, #tpu.memory_space<vmem>>
    %dma_wait3A_259 = arith.constant 0 : i32
    %dma_wait3A_260 = tpu.memref_slice %arg9[%dma_wait3A_253, %dma_wait3A_259] : memref<4x128xi32, #tpu.memory_space<vmem>> -> memref<1x128xi32, #tpu.memory_space<vmem>>
    %dma_wait3A_261 = tpu.memref_squeeze %dma_wait3A_260 : memref<1x128xi32, #tpu.memory_space<vmem>> -> memref<128xi32, #tpu.memory_space<vmem>>
    %dma_wait3A_262 = arith.constant 0 : i32
    %dma_wait3A_263 = arith.constant 0 : i32
    %dma_wait3A_264 = tpu.memref_slice %arg4[%dma_wait3A_262, %dma_wait3A_263] : memref<500000x128xf32, #tpu.memory_space<hbm>> -> memref<500000x128xf32, #tpu.memory_space<hbm>>
    tpu.wait_indirect_dma semaphore(%arg14 : memref<!tpu.dma_semaphore, #tpu.memory_space<semaphore_mem>>) src(%dma_wait3A_264 : memref<500000x128xf32, #tpu.memory_space<hbm>>) dst(%dma_wait3A_258 : memref<128x128xf32, #tpu.memory_space<vmem>>)
    %dma_wait3A_265 = arith.constant 2 : i32
    %dma_wait3A_266 = arith.constant 0 : i32
    %dma_wait3A_267 = arith.constant 0 : i32
    %dma_wait3A_268 = arith.constant 0 : i32
    %dma_wait3A_269 = tpu.memref_slice %arg12[%dma_wait3A_266, %dma_wait3A_267, %dma_wait3A_268] : memref<2x128x128xf32, #tpu.memory_space<vmem>> -> memref<1x128x128xf32, #tpu.memory_space<vmem>>
    %dma_wait3A_270 = tpu.memref_squeeze %dma_wait3A_269 : memref<1x128x128xf32, #tpu.memory_space<vmem>> -> memref<128x128xf32, #tpu.memory_space<vmem>>
    %dma_wait3A_271 = arith.constant 0 : i32
    %dma_wait3A_272 = tpu.memref_slice %arg10[%dma_wait3A_265, %dma_wait3A_271] : memref<4x128xi32, #tpu.memory_space<vmem>> -> memref<1x128xi32, #tpu.memory_space<vmem>>
    %dma_wait3A_273 = tpu.memref_squeeze %dma_wait3A_272 : memref<1x128xi32, #tpu.memory_space<vmem>> -> memref<128xi32, #tpu.memory_space<vmem>>
    %dma_wait3A_274 = arith.constant 0 : i32
    %dma_wait3A_275 = arith.constant 0 : i32
    %dma_wait3A_276 = tpu.memref_slice %arg5[%dma_wait3A_274, %dma_wait3A_275] : memref<500000x128xf32, #tpu.memory_space<hbm>> -> memref<500000x128xf32, #tpu.memory_space<hbm>>
    tpu.wait_indirect_dma semaphore(%arg14 : memref<!tpu.dma_semaphore, #tpu.memory_space<semaphore_mem>>) src(%dma_wait3A_276 : memref<500000x128xf32, #tpu.memory_space<hbm>>) dst(%dma_wait3A_270 : memref<128x128xf32, #tpu.memory_space<vmem>>)
    %scan3A_277 = arith.constant 0 : i32
    %scan3A_278 = arith.constant 0 : i32
    %scan3A_279 = arith.constant 8 : i32
    %scan3A_280 = arith.addi %scan3A_278, %scan3A_279 : i32
    %scan3A_281 = arith.constant 1 : i32
    scf.for %scan3A_313 = %scan3A_278 to %scan3A_280 step %scan3A_281  : i32 {
      %broadcast_in_dim3A = arith.constant 0.000000e+00 : f32
      %broadcast_in_dim3A_314 = vector.broadcast %broadcast_in_dim3A : f32 to vector<16xf32>
      %scan3A_315 = arith.constant 0 : i32
      %scan3A_316 = arith.constant 16 : i32
      %scan3A_317 = arith.addi %scan3A_315, %scan3A_316 : i32
      %scan3A_318 = arith.constant 1 : i32
      %scan3A_319 = scf.for %scan3A_328 = %scan3A_315 to %scan3A_317 step %scan3A_318 iter_args(%scan3A_329 = %broadcast_in_dim3A_314) -> (vector<16xf32>)  : i32 {
        %mul3A_330 = arith.constant 16 : i32
        %mul3A_331 = arith.muli %scan3A_313, %mul3A_330 : i32
        %add3A_332 = arith.addi %mul3A_331, %scan3A_328 : i32
        %add3A_333 = arith.constant 256 : i32
        %add3A_334 = arith.addi %add3A_333, %add3A_332 : i32
        %get3A = arith.index_cast %add3A_334 : i32 to index
        %get3A_335 = tpu.vector_load %arg7[%get3A] {strides = array<i32>} : memref<528xi32, #tpu.memory_space<vmem>>, vector<16xi32>,
        %get3A_336 = vector.shape_cast %get3A_335 : vector<16xi32> to vector<16xi32>
        %slice3A = vector.extract_strided_slice %get3A_336 {offsets = [0], sizes = [1], strides = [1]} : vector<16xi32> to vector<1xi32>
        %squeeze3A = vector.extract %slice3A[0] : i32 from vector<1xi32>
        %add3A_337 = arith.constant 256 : i32
        %add3A_338 = arith.addi %add3A_337, %add3A_332 : i32
        %get3A_339 = arith.index_cast %add3A_338 : i32 to index
        %get3A_340 = tpu.vector_load %arg8[%get3A_339] {strides = array<i32>} : memref<528xi32, #tpu.memory_space<vmem>>, vector<16xi32>,
        %get3A_341 = vector.shape_cast %get3A_340 : vector<16xi32> to vector<16xi32>
        %slice3A_342 = vector.extract_strided_slice %get3A_341 {offsets = [0], sizes = [1], strides = [1]} : vector<16xi32> to vector<1xi32>
        %squeeze3A_343 = vector.extract %slice3A_342[0] : i32 from vector<1xi32>
        %and3A_344 = arith.constant 1 : i32
        %and3A_345 = arith.andi %squeeze3A, %and3A_344 : i32
        %mul3A_346 = arith.constant 64 : i32
        %mul3A_347 = arith.muli %and3A_345, %mul3A_346 : i32
        %and3A_348 = arith.constant 1 : i32
        %and3A_349 = arith.andi %squeeze3A_343, %and3A_348 : i32
        %mul3A_350 = arith.constant 64 : i32
        %mul3A_351 = arith.muli %and3A_349, %mul3A_350 : i32
        %add3A_352 = arith.constant 0 : i32
        %add3A_353 = arith.addi %mul3A_347, %add3A_352 : i32
        %get3A_354 = arith.constant 0 : i32
        %get3A_355 = arith.index_cast %get3A_354 : i32 to index
        %get3A_356 = arith.index_cast %add3A_332 : i32 to index
        %get3A_357 = arith.index_cast %add3A_353 : i32 to index
        %get3A_358 = tpu.vector_load %arg11[%get3A_355, %get3A_356, %get3A_357] {strides = array<i32>} : memref<2x128x128xf32, #tpu.memory_space<vmem>>, vector<1x1x16xf32>,
        %get3A_359 = vector.shape_cast %get3A_358 : vector<1x1x16xf32> to vector<16xf32>
        %add3A_360 = arith.constant 0 : i32
        %add3A_361 = arith.addi %mul3A_351, %add3A_360 : i32
        %get3A_362 = arith.constant 0 : i32
        %get3A_363 = arith.index_cast %get3A_362 : i32 to index
        %get3A_364 = arith.index_cast %add3A_332 : i32 to index
        %get3A_365 = arith.index_cast %add3A_361 : i32 to index
        %get3A_366 = tpu.vector_load %arg12[%get3A_363, %get3A_364, %get3A_365] {strides = array<i32>} : memref<2x128x128xf32, #tpu.memory_space<vmem>>, vector<1x1x16xf32>,
        %get3A_367 = vector.shape_cast %get3A_366 : vector<1x1x16xf32> to vector<16xf32>
        %mul3A_368 = arith.mulf %get3A_359, %get3A_367 : vector<16xf32>
        %add3A_369 = arith.constant 16 : i32
        %add3A_370 = arith.addi %mul3A_347, %add3A_369 : i32
        %get3A_371 = arith.constant 0 : i32
        %get3A_372 = arith.index_cast %get3A_371 : i32 to index
        %get3A_373 = arith.index_cast %add3A_332 : i32 to index
        %get3A_374 = arith.index_cast %add3A_370 : i32 to index
        %get3A_375 = tpu.vector_load %arg11[%get3A_372, %get3A_373, %get3A_374] {strides = array<i32>} : memref<2x128x128xf32, #tpu.memory_space<vmem>>, vector<1x1x16xf32>,
        %get3A_376 = vector.shape_cast %get3A_375 : vector<1x1x16xf32> to vector<16xf32>
        %add3A_377 = arith.constant 16 : i32
        %add3A_378 = arith.addi %mul3A_351, %add3A_377 : i32
        %get3A_379 = arith.constant 0 : i32
        %get3A_380 = arith.index_cast %get3A_379 : i32 to index
        %get3A_381 = arith.index_cast %add3A_332 : i32 to index
        %get3A_382 = arith.index_cast %add3A_378 : i32 to index
        %get3A_383 = tpu.vector_load %arg12[%get3A_380, %get3A_381, %get3A_382] {strides = array<i32>} : memref<2x128x128xf32, #tpu.memory_space<vmem>>, vector<1x1x16xf32>,
        %get3A_384 = vector.shape_cast %get3A_383 : vector<1x1x16xf32> to vector<16xf32>
        %mul3A_385 = arith.mulf %get3A_376, %get3A_384 : vector<16xf32>
        %add3A_386 = arith.addf %mul3A_368, %mul3A_385 : vector<16xf32>
        %add3A_387 = arith.constant 32 : i32
        %add3A_388 = arith.addi %mul3A_347, %add3A_387 : i32
        %get3A_389 = arith.constant 0 : i32
        %get3A_390 = arith.index_cast %get3A_389 : i32 to index
        %get3A_391 = arith.index_cast %add3A_332 : i32 to index
        %get3A_392 = arith.index_cast %add3A_388 : i32 to index
        %get3A_393 = tpu.vector_load %arg11[%get3A_390, %get3A_391, %get3A_392] {strides = array<i32>} : memref<2x128x128xf32, #tpu.memory_space<vmem>>, vector<1x1x16xf32>,
        %get3A_394 = vector.shape_cast %get3A_393 : vector<1x1x16xf32> to vector<16xf32>
        %add3A_395 = arith.constant 32 : i32
        %add3A_396 = arith.addi %mul3A_351, %add3A_395 : i32
        %get3A_397 = arith.constant 0 : i32
        %get3A_398 = arith.index_cast %get3A_397 : i32 to index
        %get3A_399 = arith.index_cast %add3A_332 : i32 to index
        %get3A_400 = arith.index_cast %add3A_396 : i32 to index
        %get3A_401 = tpu.vector_load %arg12[%get3A_398, %get3A_399, %get3A_400] {strides = array<i32>} : memref<2x128x128xf32, #tpu.memory_space<vmem>>, vector<1x1x16xf32>,
        %get3A_402 = vector.shape_cast %get3A_401 : vector<1x1x16xf32> to vector<16xf32>
        %mul3A_403 = arith.mulf %get3A_394, %get3A_402 : vector<16xf32>
        %add3A_404 = arith.addf %add3A_386, %mul3A_403 : vector<16xf32>
        %add3A_405 = arith.constant 48 : i32
        %add3A_406 = arith.addi %mul3A_347, %add3A_405 : i32
        %get3A_407 = arith.constant 0 : i32
        %get3A_408 = arith.index_cast %get3A_407 : i32 to index
        %get3A_409 = arith.index_cast %add3A_332 : i32 to index
        %get3A_410 = arith.index_cast %add3A_406 : i32 to index
        %get3A_411 = tpu.vector_load %arg11[%get3A_408, %get3A_409, %get3A_410] {strides = array<i32>} : memref<2x128x128xf32, #tpu.memory_space<vmem>>, vector<1x1x16xf32>,
        %get3A_412 = vector.shape_cast %get3A_411 : vector<1x1x16xf32> to vector<16xf32>
        %add3A_413 = arith.constant 48 : i32
        %add3A_414 = arith.addi %mul3A_351, %add3A_413 : i32
        %get3A_415 = arith.constant 0 : i32
        %get3A_416 = arith.index_cast %get3A_415 : i32 to index
        %get3A_417 = arith.index_cast %add3A_332 : i32 to index
        %get3A_418 = arith.index_cast %add3A_414 : i32 to index
        %get3A_419 = tpu.vector_load %arg12[%get3A_416, %get3A_417, %get3A_418] {strides = array<i32>} : memref<2x128x128xf32, #tpu.memory_space<vmem>>, vector<1x1x16xf32>,
        %get3A_420 = vector.shape_cast %get3A_419 : vector<1x1x16xf32> to vector<16xf32>
        %mul3A_421 = arith.mulf %get3A_412, %get3A_420 : vector<16xf32>
        %add3A_422 = arith.addf %add3A_404, %mul3A_421 : vector<16xf32>
        %broadcast_in_dim3A_423 = vector.shape_cast %select_n3A_23 : vector<16xi32> to vector<16x1xi32>
        %gather3A = vector.shape_cast %broadcast_in_dim3A_423 : vector<16x1xi32> to vector<16xi32>
        %gather3A_424 = tpu.dynamic_gather %add3A_422[%gather3A] in [0] : vector<16xf32>, vector<16xi32> -> vector<16xf32>
        %add3A_425 = arith.addf %add3A_422, %gather3A_424 : vector<16xf32>
        %broadcast_in_dim3A_426 = vector.shape_cast %select_n3A_48 : vector<16xi32> to vector<16x1xi32>
        %gather3A_427 = vector.shape_cast %broadcast_in_dim3A_426 : vector<16x1xi32> to vector<16xi32>
        %gather3A_428 = tpu.dynamic_gather %add3A_425[%gather3A_427] in [0] : vector<16xf32>, vector<16xi32> -> vector<16xf32>
        %add3A_429 = arith.addf %add3A_425, %gather3A_428 : vector<16xf32>
        %broadcast_in_dim3A_430 = vector.shape_cast %select_n3A_73 : vector<16xi32> to vector<16x1xi32>
        %gather3A_431 = vector.shape_cast %broadcast_in_dim3A_430 : vector<16x1xi32> to vector<16xi32>
        %gather3A_432 = tpu.dynamic_gather %add3A_429[%gather3A_431] in [0] : vector<16xf32>, vector<16xi32> -> vector<16xf32>
        %add3A_433 = arith.addf %add3A_429, %gather3A_432 : vector<16xf32>
        %broadcast_in_dim3A_434 = vector.shape_cast %select_n3A_98 : vector<16xi32> to vector<16x1xi32>
        %gather3A_435 = vector.shape_cast %broadcast_in_dim3A_434 : vector<16x1xi32> to vector<16xi32>
        %gather3A_436 = tpu.dynamic_gather %add3A_433[%gather3A_435] in [0] : vector<16xf32>, vector<16xi32> -> vector<16xf32>
        %add3A_437 = arith.addf %add3A_433, %gather3A_436 : vector<16xf32>
        %eq3A_438 = vector.broadcast %scan3A_328 : i32 to vector<16xi32>
        %eq3A_439 = arith.cmpi eq, %iota3A, %eq3A_438 : vector<16xi32>
        %select_n3A_440 = arith.select %eq3A_439, %add3A_437, %scan3A_329 : vector<16xi1>, vector<16xf32>
        scf.yield %select_n3A_440 : vector<16xf32>
      }
      %scan3A_320 = arith.constant 16 : i32
      %mul3A_321 = arith.constant 16 : i32
      %mul3A_322 = arith.muli %scan3A_313, %mul3A_321 : i32
      %add3A_323 = arith.constant 256 : i32
      %add3A_324 = arith.addi %add3A_323, %mul3A_322 : i32
      %swap3A = arith.index_cast %add3A_324 : i32 to index
      %swap3A_325 = tpu.vector_load %arg13[%swap3A] {strides = array<i32>} : memref<512xf32, #tpu.memory_space<vmem>>, vector<16xf32>,
      %swap3A_326 = vector.shape_cast %swap3A_325 : vector<16xf32> to vector<16xf32>
      %swap3A_327 = vector.shape_cast %scan3A_319 : vector<16xf32> to vector<16xf32>
      tpu.vector_store %arg13[%swap3A], %swap3A_327 {strides = array<i32>} : memref<512xf32, #tpu.memory_space<vmem>>, vector<16xf32>,
    }
    %scan3A_282 = arith.constant 8 : i32
    %dma_wait3A_283 = arith.constant 3 : i32
    %dma_wait3A_284 = arith.constant 1 : i32
    %dma_wait3A_285 = arith.constant 0 : i32
    %dma_wait3A_286 = arith.constant 0 : i32
    %dma_wait3A_287 = tpu.memref_slice %arg11[%dma_wait3A_284, %dma_wait3A_285, %dma_wait3A_286] : memref<2x128x128xf32, #tpu.memory_space<vmem>> -> memref<1x128x128xf32, #tpu.memory_space<vmem>>
    %dma_wait3A_288 = tpu.memref_squeeze %dma_wait3A_287 : memref<1x128x128xf32, #tpu.memory_space<vmem>> -> memref<128x128xf32, #tpu.memory_space<vmem>>
    %dma_wait3A_289 = arith.constant 0 : i32
    %dma_wait3A_290 = tpu.memref_slice %arg9[%dma_wait3A_283, %dma_wait3A_289] : memref<4x128xi32, #tpu.memory_space<vmem>> -> memref<1x128xi32, #tpu.memory_space<vmem>>
    %dma_wait3A_291 = tpu.memref_squeeze %dma_wait3A_290 : memref<1x128xi32, #tpu.memory_space<vmem>> -> memref<128xi32, #tpu.memory_space<vmem>>
    %dma_wait3A_292 = arith.constant 0 : i32
    %dma_wait3A_293 = arith.constant 0 : i32
    %dma_wait3A_294 = tpu.memref_slice %arg4[%dma_wait3A_292, %dma_wait3A_293] : memref<500000x128xf32, #tpu.memory_space<hbm>> -> memref<500000x128xf32, #tpu.memory_space<hbm>>
    tpu.wait_indirect_dma semaphore(%arg15 : memref<!tpu.dma_semaphore, #tpu.memory_space<semaphore_mem>>) src(%dma_wait3A_294 : memref<500000x128xf32, #tpu.memory_space<hbm>>) dst(%dma_wait3A_288 : memref<128x128xf32, #tpu.memory_space<vmem>>)
    %dma_wait3A_295 = arith.constant 3 : i32
    %dma_wait3A_296 = arith.constant 1 : i32
    %dma_wait3A_297 = arith.constant 0 : i32
    %dma_wait3A_298 = arith.constant 0 : i32
    %dma_wait3A_299 = tpu.memref_slice %arg12[%dma_wait3A_296, %dma_wait3A_297, %dma_wait3A_298] : memref<2x128x128xf32, #tpu.memory_space<vmem>> -> memref<1x128x128xf32, #tpu.memory_space<vmem>>
    %dma_wait3A_300 = tpu.memref_squeeze %dma_wait3A_299 : memref<1x128x128xf32, #tpu.memory_space<vmem>> -> memref<128x128xf32, #tpu.memory_space<vmem>>
    %dma_wait3A_301 = arith.constant 0 : i32
    %dma_wait3A_302 = tpu.memref_slice %arg10[%dma_wait3A_295, %dma_wait3A_301] : memref<4x128xi32, #tpu.memory_space<vmem>> -> memref<1x128xi32, #tpu.memory_space<vmem>>
    %dma_wait3A_303 = tpu.memref_squeeze %dma_wait3A_302 : memref<1x128xi32, #tpu.memory_space<vmem>> -> memref<128xi32, #tpu.memory_space<vmem>>
    %dma_wait3A_304 = arith.constant 0 : i32
    %dma_wait3A_305 = arith.constant 0 : i32
    %dma_wait3A_306 = tpu.memref_slice %arg5[%dma_wait3A_304, %dma_wait3A_305] : memref<500000x128xf32, #tpu.memory_space<hbm>> -> memref<500000x128xf32, #tpu.memory_space<hbm>>
    tpu.wait_indirect_dma semaphore(%arg15 : memref<!tpu.dma_semaphore, #tpu.memory_space<semaphore_mem>>) src(%dma_wait3A_306 : memref<500000x128xf32, #tpu.memory_space<hbm>>) dst(%dma_wait3A_300 : memref<128x128xf32, #tpu.memory_space<vmem>>)
    %scan3A_307 = arith.constant 0 : i32
    %scan3A_308 = arith.constant 0 : i32
    %scan3A_309 = arith.constant 8 : i32
    %scan3A_310 = arith.addi %scan3A_308, %scan3A_309 : i32
    %scan3A_311 = arith.constant 1 : i32
    scf.for %scan3A_313 = %scan3A_308 to %scan3A_310 step %scan3A_311  : i32 {
      %broadcast_in_dim3A = arith.constant 0.000000e+00 : f32
      %broadcast_in_dim3A_314 = vector.broadcast %broadcast_in_dim3A : f32 to vector<16xf32>
      %scan3A_315 = arith.constant 0 : i32
      %scan3A_316 = arith.constant 16 : i32
      %scan3A_317 = arith.addi %scan3A_315, %scan3A_316 : i32
      %scan3A_318 = arith.constant 1 : i32
      %scan3A_319 = scf.for %scan3A_328 = %scan3A_315 to %scan3A_317 step %scan3A_318 iter_args(%scan3A_329 = %broadcast_in_dim3A_314) -> (vector<16xf32>)  : i32 {
        %mul3A_330 = arith.constant 16 : i32
        %mul3A_331 = arith.muli %scan3A_313, %mul3A_330 : i32
        %add3A_332 = arith.addi %mul3A_331, %scan3A_328 : i32
        %add3A_333 = arith.constant 384 : i32
        %add3A_334 = arith.addi %add3A_333, %add3A_332 : i32
        %get3A = arith.index_cast %add3A_334 : i32 to index
        %get3A_335 = tpu.vector_load %arg7[%get3A] {strides = array<i32>} : memref<528xi32, #tpu.memory_space<vmem>>, vector<16xi32>,
        %get3A_336 = vector.shape_cast %get3A_335 : vector<16xi32> to vector<16xi32>
        %slice3A = vector.extract_strided_slice %get3A_336 {offsets = [0], sizes = [1], strides = [1]} : vector<16xi32> to vector<1xi32>
        %squeeze3A = vector.extract %slice3A[0] : i32 from vector<1xi32>
        %add3A_337 = arith.constant 384 : i32
        %add3A_338 = arith.addi %add3A_337, %add3A_332 : i32
        %get3A_339 = arith.index_cast %add3A_338 : i32 to index
        %get3A_340 = tpu.vector_load %arg8[%get3A_339] {strides = array<i32>} : memref<528xi32, #tpu.memory_space<vmem>>, vector<16xi32>,
        %get3A_341 = vector.shape_cast %get3A_340 : vector<16xi32> to vector<16xi32>
        %slice3A_342 = vector.extract_strided_slice %get3A_341 {offsets = [0], sizes = [1], strides = [1]} : vector<16xi32> to vector<1xi32>
        %squeeze3A_343 = vector.extract %slice3A_342[0] : i32 from vector<1xi32>
        %and3A_344 = arith.constant 1 : i32
        %and3A_345 = arith.andi %squeeze3A, %and3A_344 : i32
        %mul3A_346 = arith.constant 64 : i32
        %mul3A_347 = arith.muli %and3A_345, %mul3A_346 : i32
        %and3A_348 = arith.constant 1 : i32
        %and3A_349 = arith.andi %squeeze3A_343, %and3A_348 : i32
        %mul3A_350 = arith.constant 64 : i32
        %mul3A_351 = arith.muli %and3A_349, %mul3A_350 : i32
        %add3A_352 = arith.constant 0 : i32
        %add3A_353 = arith.addi %mul3A_347, %add3A_352 : i32
        %get3A_354 = arith.constant 1 : i32
        %get3A_355 = arith.index_cast %get3A_354 : i32 to index
        %get3A_356 = arith.index_cast %add3A_332 : i32 to index
        %get3A_357 = arith.index_cast %add3A_353 : i32 to index
        %get3A_358 = tpu.vector_load %arg11[%get3A_355, %get3A_356, %get3A_357] {strides = array<i32>} : memref<2x128x128xf32, #tpu.memory_space<vmem>>, vector<1x1x16xf32>,
        %get3A_359 = vector.shape_cast %get3A_358 : vector<1x1x16xf32> to vector<16xf32>
        %add3A_360 = arith.constant 0 : i32
        %add3A_361 = arith.addi %mul3A_351, %add3A_360 : i32
        %get3A_362 = arith.constant 1 : i32
        %get3A_363 = arith.index_cast %get3A_362 : i32 to index
        %get3A_364 = arith.index_cast %add3A_332 : i32 to index
        %get3A_365 = arith.index_cast %add3A_361 : i32 to index
        %get3A_366 = tpu.vector_load %arg12[%get3A_363, %get3A_364, %get3A_365] {strides = array<i32>} : memref<2x128x128xf32, #tpu.memory_space<vmem>>, vector<1x1x16xf32>,
        %get3A_367 = vector.shape_cast %get3A_366 : vector<1x1x16xf32> to vector<16xf32>
        %mul3A_368 = arith.mulf %get3A_359, %get3A_367 : vector<16xf32>
        %add3A_369 = arith.constant 16 : i32
        %add3A_370 = arith.addi %mul3A_347, %add3A_369 : i32
        %get3A_371 = arith.constant 1 : i32
        %get3A_372 = arith.index_cast %get3A_371 : i32 to index
        %get3A_373 = arith.index_cast %add3A_332 : i32 to index
        %get3A_374 = arith.index_cast %add3A_370 : i32 to index
        %get3A_375 = tpu.vector_load %arg11[%get3A_372, %get3A_373, %get3A_374] {strides = array<i32>} : memref<2x128x128xf32, #tpu.memory_space<vmem>>, vector<1x1x16xf32>,
        %get3A_376 = vector.shape_cast %get3A_375 : vector<1x1x16xf32> to vector<16xf32>
        %add3A_377 = arith.constant 16 : i32
        %add3A_378 = arith.addi %mul3A_351, %add3A_377 : i32
        %get3A_379 = arith.constant 1 : i32
        %get3A_380 = arith.index_cast %get3A_379 : i32 to index
        %get3A_381 = arith.index_cast %add3A_332 : i32 to index
        %get3A_382 = arith.index_cast %add3A_378 : i32 to index
        %get3A_383 = tpu.vector_load %arg12[%get3A_380, %get3A_381, %get3A_382] {strides = array<i32>} : memref<2x128x128xf32, #tpu.memory_space<vmem>>, vector<1x1x16xf32>,
        %get3A_384 = vector.shape_cast %get3A_383 : vector<1x1x16xf32> to vector<16xf32>
        %mul3A_385 = arith.mulf %get3A_376, %get3A_384 : vector<16xf32>
        %add3A_386 = arith.addf %mul3A_368, %mul3A_385 : vector<16xf32>
        %add3A_387 = arith.constant 32 : i32
        %add3A_388 = arith.addi %mul3A_347, %add3A_387 : i32
        %get3A_389 = arith.constant 1 : i32
        %get3A_390 = arith.index_cast %get3A_389 : i32 to index
        %get3A_391 = arith.index_cast %add3A_332 : i32 to index
        %get3A_392 = arith.index_cast %add3A_388 : i32 to index
        %get3A_393 = tpu.vector_load %arg11[%get3A_390, %get3A_391, %get3A_392] {strides = array<i32>} : memref<2x128x128xf32, #tpu.memory_space<vmem>>, vector<1x1x16xf32>,
        %get3A_394 = vector.shape_cast %get3A_393 : vector<1x1x16xf32> to vector<16xf32>
        %add3A_395 = arith.constant 32 : i32
        %add3A_396 = arith.addi %mul3A_351, %add3A_395 : i32
        %get3A_397 = arith.constant 1 : i32
        %get3A_398 = arith.index_cast %get3A_397 : i32 to index
        %get3A_399 = arith.index_cast %add3A_332 : i32 to index
        %get3A_400 = arith.index_cast %add3A_396 : i32 to index
        %get3A_401 = tpu.vector_load %arg12[%get3A_398, %get3A_399, %get3A_400] {strides = array<i32>} : memref<2x128x128xf32, #tpu.memory_space<vmem>>, vector<1x1x16xf32>,
        %get3A_402 = vector.shape_cast %get3A_401 : vector<1x1x16xf32> to vector<16xf32>
        %mul3A_403 = arith.mulf %get3A_394, %get3A_402 : vector<16xf32>
        %add3A_404 = arith.addf %add3A_386, %mul3A_403 : vector<16xf32>
        %add3A_405 = arith.constant 48 : i32
        %add3A_406 = arith.addi %mul3A_347, %add3A_405 : i32
        %get3A_407 = arith.constant 1 : i32
        %get3A_408 = arith.index_cast %get3A_407 : i32 to index
        %get3A_409 = arith.index_cast %add3A_332 : i32 to index
        %get3A_410 = arith.index_cast %add3A_406 : i32 to index
        %get3A_411 = tpu.vector_load %arg11[%get3A_408, %get3A_409, %get3A_410] {strides = array<i32>} : memref<2x128x128xf32, #tpu.memory_space<vmem>>, vector<1x1x16xf32>,
        %get3A_412 = vector.shape_cast %get3A_411 : vector<1x1x16xf32> to vector<16xf32>
        %add3A_413 = arith.constant 48 : i32
        %add3A_414 = arith.addi %mul3A_351, %add3A_413 : i32
        %get3A_415 = arith.constant 1 : i32
        %get3A_416 = arith.index_cast %get3A_415 : i32 to index
        %get3A_417 = arith.index_cast %add3A_332 : i32 to index
        %get3A_418 = arith.index_cast %add3A_414 : i32 to index
        %get3A_419 = tpu.vector_load %arg12[%get3A_416, %get3A_417, %get3A_418] {strides = array<i32>} : memref<2x128x128xf32, #tpu.memory_space<vmem>>, vector<1x1x16xf32>,
        %get3A_420 = vector.shape_cast %get3A_419 : vector<1x1x16xf32> to vector<16xf32>
        %mul3A_421 = arith.mulf %get3A_412, %get3A_420 : vector<16xf32>
        %add3A_422 = arith.addf %add3A_404, %mul3A_421 : vector<16xf32>
        %broadcast_in_dim3A_423 = vector.shape_cast %select_n3A_23 : vector<16xi32> to vector<16x1xi32>
        %gather3A = vector.shape_cast %broadcast_in_dim3A_423 : vector<16x1xi32> to vector<16xi32>
        %gather3A_424 = tpu.dynamic_gather %add3A_422[%gather3A] in [0] : vector<16xf32>, vector<16xi32> -> vector<16xf32>
        %add3A_425 = arith.addf %add3A_422, %gather3A_424 : vector<16xf32>
        %broadcast_in_dim3A_426 = vector.shape_cast %select_n3A_48 : vector<16xi32> to vector<16x1xi32>
        %gather3A_427 = vector.shape_cast %broadcast_in_dim3A_426 : vector<16x1xi32> to vector<16xi32>
        %gather3A_428 = tpu.dynamic_gather %add3A_425[%gather3A_427] in [0] : vector<16xf32>, vector<16xi32> -> vector<16xf32>
        %add3A_429 = arith.addf %add3A_425, %gather3A_428 : vector<16xf32>
        %broadcast_in_dim3A_430 = vector.shape_cast %select_n3A_73 : vector<16xi32> to vector<16x1xi32>
        %gather3A_431 = vector.shape_cast %broadcast_in_dim3A_430 : vector<16x1xi32> to vector<16xi32>
        %gather3A_432 = tpu.dynamic_gather %add3A_429[%gather3A_431] in [0] : vector<16xf32>, vector<16xi32> -> vector<16xf32>
        %add3A_433 = arith.addf %add3A_429, %gather3A_432 : vector<16xf32>
        %broadcast_in_dim3A_434 = vector.shape_cast %select_n3A_98 : vector<16xi32> to vector<16x1xi32>
        %gather3A_435 = vector.shape_cast %broadcast_in_dim3A_434 : vector<16x1xi32> to vector<16xi32>
        %gather3A_436 = tpu.dynamic_gather %add3A_433[%gather3A_435] in [0] : vector<16xf32>, vector<16xi32> -> vector<16xf32>
        %add3A_437 = arith.addf %add3A_433, %gather3A_436 : vector<16xf32>
        %eq3A_438 = vector.broadcast %scan3A_328 : i32 to vector<16xi32>
        %eq3A_439 = arith.cmpi eq, %iota3A, %eq3A_438 : vector<16xi32>
        %select_n3A_440 = arith.select %eq3A_439, %add3A_437, %scan3A_329 : vector<16xi1>, vector<16xf32>
        scf.yield %select_n3A_440 : vector<16xf32>
      }
      %scan3A_320 = arith.constant 16 : i32
      %mul3A_321 = arith.constant 16 : i32
      %mul3A_322 = arith.muli %scan3A_313, %mul3A_321 : i32
      %add3A_323 = arith.constant 384 : i32
      %add3A_324 = arith.addi %add3A_323, %mul3A_322 : i32
      %swap3A = arith.index_cast %add3A_324 : i32 to index
      %swap3A_325 = tpu.vector_load %arg13[%swap3A] {strides = array<i32>} : memref<512xf32, #tpu.memory_space<vmem>>, vector<16xf32>,
      %swap3A_326 = vector.shape_cast %swap3A_325 : vector<16xf32> to vector<16xf32>
      %swap3A_327 = vector.shape_cast %scan3A_319 : vector<16xf32> to vector<16xf32>
      tpu.vector_store %arg13[%swap3A], %swap3A_327 {strides = array<i32>} : memref<512xf32, #tpu.memory_space<vmem>>, vector<16xf32>,
    }
    %scan3A_312 = arith.constant 8 : i32
    "tpu.region"() ({
      %run_scoped3A = tpu.sem_alloc : memref<!tpu.dma_semaphore, #tpu.memory_space<semaphore_mem>>
      %dma_start3A_313 = arith.constant 0 : i32
      %dma_start3A_314 = tpu.memref_slice %arg6[%add3A, %dma_start3A_313] : memref<32x512xf32, #tpu.memory_space<hbm>> -> memref<1x512xf32, #tpu.memory_space<hbm>>
      %dma_start3A_315 = tpu.memref_squeeze %dma_start3A_314 : memref<1x512xf32, #tpu.memory_space<hbm>> -> memref<512xf32, #tpu.memory_space<hbm>>
      %dma_start3A_316 = arith.constant 0 : i32
      %dma_start3A_317 = tpu.memref_slice %arg6[%add3A, %dma_start3A_316] : memref<32x512xf32, #tpu.memory_space<hbm>> -> memref<1x512xf32, #tpu.memory_space<hbm>>
      %dma_start3A_318 = tpu.memref_squeeze %dma_start3A_317 : memref<1x512xf32, #tpu.memory_space<hbm>> -> memref<512xf32, #tpu.memory_space<hbm>>
      tpu.enqueue_dma source(%arg13 : memref<512xf32, #tpu.memory_space<vmem>>) target(%dma_start3A_318 : memref<512xf32, #tpu.memory_space<hbm>>) target_semaphore(%run_scoped3A : memref<!tpu.dma_semaphore, #tpu.memory_space<semaphore_mem>>)
      %dma_wait3A_319 = arith.constant 0 : i32
      %dma_wait3A_320 = tpu.memref_slice %arg6[%add3A, %dma_wait3A_319] : memref<32x512xf32, #tpu.memory_space<hbm>> -> memref<1x512xf32, #tpu.memory_space<hbm>>
      %dma_wait3A_321 = tpu.memref_squeeze %dma_wait3A_320 : memref<1x512xf32, #tpu.memory_space<hbm>> -> memref<512xf32, #tpu.memory_space<hbm>>
      %dma_wait3A_322 = arith.constant 0 : i32
      %dma_wait3A_323 = tpu.memref_slice %arg6[%add3A, %dma_wait3A_322] : memref<32x512xf32, #tpu.memory_space<hbm>> -> memref<1x512xf32, #tpu.memory_space<hbm>>
      %dma_wait3A_324 = tpu.memref_squeeze %dma_wait3A_323 : memref<1x512xf32, #tpu.memory_space<hbm>> -> memref<512xf32, #tpu.memory_space<hbm>>
      tpu.wait_dma2 semaphore(%run_scoped3A : memref<!tpu.dma_semaphore, #tpu.memory_space<semaphore_mem>>) src(%arg13 : memref<512xf32, #tpu.memory_space<vmem>>) dst(%dma_wait3A_324 : memref<512xf32, #tpu.memory_space<hbm>>)
      tpu.yield
    }) : () -> ()
    return
  }
}

</mosaic_0001>

<sc_bundles>
// kernel: kernel.3.cloned.1.call-start
scs
__scs_entry_jumppad:
0x0: {  	(pc) =	sbr.rel $0x88, $3  }
0x1: {  	(tag) =	ssettag $0x0;
	lr =	simm.s32 $0x1  }
0x2: {  	[smem:$0x3F9D] =	sst lr;
	_ =	strace $0xD0000000  }
0x3: {  	_ = 	snop  }
0x4: {  	_ = 	snop  }
0x5: {  	_ = 	snop  }
0x6: {  	_ = 	snop  }
0x7: {  	_ = 	snop  }
__scs_overlays_trampoline_lowered:
0x8: {  	[smem:$0x3FAC] =	sst s0  }
0x9: {  	[smem:$0x3FAD] =	sst s1  }
0xa: {  	[smem:$0x3FAE] =	sst s2  }
0xb: {  	[smem:$0x3FAF] =	sst s3  }
0xc: {  	[smem:$0x3FB0] =	sst s4  }
0xd: {  	[smem:$0x3FB1] =	sst s5  }
0xe: {  	[smem:$0x3FB2] =	sst s6  }
0xf: {  	[smem:$0x3FB3] =	sst s7  }
0x10: {  	[smem:$0x3FB4] =	sst s8  }
0x11: {  	[smem:$0x3FB5] =	sst s9;
	s0 =	simm.s32 @!p0 $0x0  }
0x12: {  	s1 =	sld [smem:$0x3F9B];
	s0 =	simm.s32 @p0 $0x1  }
0x13: {  	[smem:$0x3FB6] =	sst s0;
	s0 =	simm.s32 @!p1 $0x0  }
0x14: {  	s2 =	sld [smem:$0x3F9A];
	s0 =	simm.s32 @p1 $0x1  }
0x15: {  	[smem:$0x3FB7] =	sst s0;
	s0 =	simm.s32 @!p2 $0x0  }
0x16: {  	s3 =	sld [smem:$0x3FDB];
	s0 =	simm.s32 @p2 $0x1  }
0x17: {  	s4 =	simm.s32 $0x1BF5;
	[smem:$0x3FB9] =	sst s0  }
0x18: {  	s0 =	sld [smem:$0x3F9C];
	_ =	swait.ge [sflag:s4], $0x0  }
0x19: {  	s7 =	sld [smem:$0x3F9D]  }
0x1a: {  	s8 =	sadd.s32 $0xFFFFE003, lr  }
0x1b: {  	s9 =	sadd.s32 $0xFFFFFEF7, lr;
	s5 =	simm.s32 $0xFFFFFFFF;
	p2 =	slt.u32 s8, $0xFFFFF086  }
0x1c: {  	p1 =	slt.u32 s9, $0xF7A;
	s5 =	simm.s32 @!p2 $0x0  }
0x1d: {  	s5 =	simm.s32 @p1 $0x1;
	p0 =	seq.s32 s7, s2  }
0x1e: {  	s7 =	smul.u32 @!p0 $0xF7A, s2;
	p2 =	seq.s32 @!p0 s5, $0x0  }
0x1f: {  	s9 =	smul.u32 $0xF7A, s1;
	s8 =	simm.s32 @!p0 $0x1BF5;
	p2 =	por !p2, p0  }
0x20: {  	[sflag:s8] =	ssyncset.s32 @!p0 $0xFFFFF086;
	s6 =	sadd.s32 @!p0 s3, s7;
	s7 =	simm.s32 @!p0 $0x108  }
0x21: {  	s3 =	sadd.s32 s3, s9;
	s6 =	sadd.s32 @!p0 $0x88, s6;
	s7 =	simm.s32 @p2 $0x1082  }
0x22: {  	[simem:s7], [sflag:s8] =	dma.local @!p0 [hbm:s6], $0xF7A  }
0x23: {  	s9 =	sor.u32 $0xD0000000, s2;
	s6 =	simm.s32 $0x108;
	_ =	swait.ge @!p0 [sflag:s8], $0x0  }
0x24: {  	s3 =	sadd.s32 $0x88, s3;
	s6 =	simm.s32 @!p1 $0x1082;
	[sflag:s4] =	ssyncset.s32 $0xFFFFF086  }
0x25: {  	[simem:s6], [sflag:s4] =	dma.local [hbm:s3], $0xF7A  }
0x26: {  	[smem:$0x3F9D] =	sst s1;
	(tag) =	ssettag s2;
	_ =	strace s9  }
0x27: {  	s1 =	sld [smem:$0x3FAD]  }
0x28: {  	s2 =	sld [smem:$0x3FAE]  }
0x29: {  	s4 =	sld [smem:$0x3FB0]  }
0x2a: {  	p0 =	seq.s32 s5, $0x0;
	s5 =	sld [smem:$0x3FB1]  }
0x2b: {  	s6 =	sld [smem:$0x3FB2]  }
0x2c: {  	s7 =	sld [smem:$0x3FB3]  }
0x2d: {  	s3 =	simm.s32 $0x108;
	s8 =	sld [smem:$0x3FB4]  }
0x2e: {  	s3 =	simm.s32 @!p0 $0x1082;
	s9 =	sld [smem:$0x3FB5]  }
0x2f: {  	lr =	sadd.s32 s0, s3;
	s0 =	sld [smem:$0x3FAC]  }
0x30: {  	s3 =	sld [smem:$0x3FAF]  }
0x31: {  	[smem:$0x3FB8] =	sst s10  }
0x32: {  	s10 =	sld [smem:$0x3FB6];
	_ =	sdelay $0x3  }
0x33: {  	p0 =	seq.s32 s10, $0x1;
	s10 =	sld [smem:$0x3FB8];
	_ =	sdelay $0x3  }
0x34: {  	[smem:$0x3FB8] =	sst s10  }
0x35: {  	s10 =	sld [smem:$0x3FB7];
	_ =	sdelay $0x3  }
0x36: {  	p1 =	seq.s32 s10, $0x1;
	s10 =	sld [smem:$0x3FB8];
	_ =	sdelay $0x3  }
0x37: {  	[smem:$0x3FB8] =	sst s10  }
0x38: {  	s10 =	sld [smem:$0x3FB9]  }
0x39: {  	_ = 	snop;
	(pc) =	sbr.ind lr, $3  }
0x3a: {  	_ = 	snop  }
0x3b: {  	_ = 	snop  }
0x3c: {  	p2 =	seq.s32 s10, $0x1;
	s10 =	sld [smem:$0x3FB8]  }
0x3d: {  	_ =	shalt  }
0x3e: {  	_ =	shalt  }
0x3f: {  	_ =	shalt  }
0x40: {  	_ =	shalt  }
0x41: {  	_ =	shalt  }
0x42: {  	_ =	shalt  }
0x43: {  	_ =	shalt  }
0x44: {  	_ =	shalt  }
0x45: {  	_ =	shalt  }
0x46: {  	_ =	shalt  }
0x47: {  	_ =	shalt  }
0x48: {  	_ =	shalt  }
0x49: {  	_ =	shalt  }
0x4a: {  	_ =	shalt  }
0x4b: {  	_ =	shalt  }
0x4c: {  	_ =	shalt  }
0x4d: {  	_ =	shalt  }
0x4e: {  	_ =	shalt  }
0x4f: {  	_ =	shalt  }
0x50: {  	_ =	shalt  }
0x51: {  	_ =	shalt  }
0x52: {  	_ =	shalt  }
0x53: {  	_ =	shalt  }
0x54: {  	_ =	shalt  }
0x55: {  	_ =	shalt  }
0x56: {  	_ =	shalt  }
0x57: {  	_ =	shalt  }
0x58: {  	_ =	shalt  }
0x59: {  	_ =	shalt  }
0x5a: {  	_ =	shalt  }
0x5b: {  	_ =	shalt  }
0x5c: {  	_ =	shalt  }
0x5d: {  	_ =	shalt  }
0x5e: {  	_ =	shalt  }
0x5f: {  	_ =	shalt  }
0x60: {  	_ =	shalt  }
0x61: {  	_ =	shalt  }
0x62: {  	_ =	shalt  }
0x63: {  	_ =	shalt  }
0x64: {  	_ =	shalt  }
0x65: {  	_ =	shalt  }
0x66: {  	_ =	shalt  }
0x67: {  	_ =	shalt  }
0x68: {  	_ =	shalt  }
0x69: {  	_ =	shalt  }
0x6a: {  	_ =	shalt  }
0x6b: {  	_ =	shalt  }
0x6c: {  	_ =	shalt  }
0x6d: {  	_ =	shalt  }
0x6e: {  	_ =	shalt  }
0x6f: {  	_ =	shalt  }
0x70: {  	_ =	shalt  }
0x71: {  	_ =	shalt  }
0x72: {  	_ =	shalt  }
0x73: {  	_ =	shalt  }
0x74: {  	_ =	shalt  }
0x75: {  	_ =	shalt  }
0x76: {  	_ =	shalt  }
0x77: {  	_ =	shalt  }
0x78: {  	_ =	shalt  }
0x79: {  	_ =	shalt  }
0x7a: {  	_ =	shalt  }
0x7b: {  	_ =	shalt  }
0x7c: {  	_ =	shalt  }
0x7d: {  	_ =	shalt  }
0x7e: {  	_ =	shalt  }
0x7f: {  	_ =	shalt  }
0x80: {  	_ =	shalt  }
0x81: {  	_ =	shalt  }
0x82: {  	_ =	shalt  }
0x83: {  	_ =	shalt  }
0x84: {  	_ =	shalt  }
0x85: {  	_ =	shalt  }
0x86: {  	_ =	shalt  }
0x87: {  	_ =	shalt  }
.Lfunc_end0:
.L_simem_size_0:
called_computation_lowered:
.L_overlay_start_0:
0x88: {  	s2 =	sld [smem:$0x3FD9]  }
0x89: {  	s3 =	sld [smem:$0x3FFE];
	_ =	sdelay $0x1  }
0x8a: {  	s1 =	srdreg.scid  }
0x8b: {  	s0 =	sand.u32 $0x1, s1  }
0x8c: {  	s17 =	sshll.u32 s0, $0xA;
	s2 =	sadd.s32 s3, s2  }
0x8d: {  	s2 =	sadd.s32 s2, s17  }
0x8e: {  	[smem:$0x3FC4] =	sst s2  }
0x8f: {  	_ = 	snop  }
0x90: {  	s2 =	sld [smem:$0x3FD0];
	(tm) =	ssettm $0x1  }
0x91: {  	s18 =	sld [smem:$0x3FFB];
	_ =	sdelay $0x3  }
0x92: {  	_ =	strace s18  }
0x93: {  	s3 =	sld [smem:$0x3FFC];
	_ =	sdelay $0x3  }
0x94: {  	_ =	strace s3  }
0x95: {  	s3 =	sld [smem:$0x3FFD];
	_ =	sdelay $0x3  }
0x96: {  	_ =	strace s3  }
0x97: {  	_ =	strace $0x8FFFFFFF  }
0x98: {  	s19 =	sld [smem:$0x3FDB];
	_ =	sdelay $0x1  }
0x99: {  	s4 =	simm.s32 $_scs_section_size  }
0x9a: {  	s5 =	simm.s32 $_size__tile_overlayer_lowered;
	s6 =	simm.s32 $_tile_overlayer_lowered  }
0x9b: {  	s22 =	simm.s32 $0x1BFF;
	s21 =	sshll.u32 s6, $0x1;
	s3 =	sadd.s32 s4, s19  }
0x9c: {  	s7 =	simm.s32 $0x0;
	s20 =	sshll.u32 s5, $0x1;
	s5 =	sadd.s32 s21, s3  }
0x9d: {  	[timem:s7], [sflag:s22] =	dma.local [hbm:s5], s20  }
0x9e: {  	_ =	swait.ge [sflag:s22], s20  }
0x9f: {  	s4 =	ssub.s32 $0x0, s20;
	[sflag:s22] =	ssyncset.done $0x0  }
0xa0: {  	[sflag:s22] =	ssyncadd.s32 s4;
	_ =	sdelay $0x1  }
0xa1: {  	s23 =	simm.s32 $0x1B8B  }
0xa2: {  	_ =	swait.ge [sflag:s23], $0x1  }
0xa3: {  	[sflag:s23] =	ssyncset.done $0x0  }
0xa4: {  	s25 =	simm.s32 $0x1B8E;
	s24 =	sld [smem:$0x3FFE];
	[sflag:s23] =	ssyncadd.s32 $0xFFFFFFFF  }
0xa5: {  	s26 =	simm.s32 $execute0_lowered;
	[smem:$0x3FD2] =	sst s25  }
0xa6: {  	s5 =	sshll.u32 s26, $0x1;
	_ =	strace $0x80000046;
	[dreg:$0x1] =	wrdreg $0xFFFFFFFF  }
0xa7: {  	s28 =	simm.s32 $_size_execute0_lowered;
	s3 =	sadd.s32 s3, s5;
	[dreg:$0x0] =	wrdreg $0x0  }
0xa8: {  	s5 =	sshll.u32 s28, $0x1;
	[dreg:$0x2] =	wrdreg s3  }
0xa9: {  	[dreg:$0x3] =	wrdreg s5  }
0xaa: {  	[dreg:$0x4] =	wrdreg $0xC0  }
0xab: {  	_ =	task [dreg:s7], $0x5FFFF  }
0xac: {  	[dreg:$0x1] =	wrdreg $0xFFFFFFFF  }
0xad: {  	[dreg:$0x0] =	wrdreg $0x60  }
0xae: {  	[dreg:$0x2] =	wrdreg s2  }
0xaf: {  	[dreg:$0x3] =	wrdreg s24  }
0xb0: {  	[dreg:$0x4] =	wrdreg $0x9  }
0xb1: {  	_ =	task.clear_ibuf [dreg:s7], $0x5FFFF;
	_ =	strace $0x90000046  }
0xb2: {  	s29 =	simm.s32 $0x9;
	_ =	strace $0x80000048  }
0xb3: {  	_ =	swait.ge [sflag:s29], $0x1  }
0xb4: {  	[sflag:s29] =	ssyncadd.s32 $0xFFFFFFFF  }
0xb5: {  	_ =	strace $0x90000048  }
0xb6: {  	_ =	sfence  }
0xb7: {  	s30 =	sld [smem:$0x0];
	_ =	sdelay $0x2  }
0xb8: {  	s31 =	sshll.u32 s1, $0xD;
	s1 =	sshrl.u32 s1, $0x2  }
0xb9: {  	s3 =	sand.u32 $0x4000, s31;
	s1 =	sadd.s32 s1, s30  }
0xba: {  	s0 =	sor.u32 s3, s0;
	s1 =	sshll.u32 s1, $0x11  }
0xbb: {  	s0 =	sor.u32 s1, s0  }
0xbc: {  	s0 =	sadd.s32 $0x8F2B, s0  }
0xbd: {  	[sflag:s0] =	ssyncadd.remote.s32 $0x1  }
0xbe: {  	_ =	sfence.sel $0xFFFF  }
0xbf: {  	[dreg:$0x0] =	wrdreg $0xFFFFFFFF;
	(pc) =	sbr.abs _section_cstart, $3  }
0xc0: {  	[dreg:$0x1] =	wrdreg $0xFFFFFFFF  }
0xc1: {  	_ =	task.clear_ibuf [dreg:s7], $0x2FFFF;
	_ =	strace $0x9FFFFFFF  }
0xc2: {  	(tm) =	ssettm $0x7FFFFFFF  }
0xc3: {  	_ =	shalt  }
tec
execute0_lowered:
.L_overlay_start_1:
0x0: {  	(tag) =	ssettag $0x1  }
0x1: {  	s0 =	rddreg [dreg:$0x0]  }
0x2: {  	s1 =	rddreg [dreg:$0x1];
	s2 =	simm.s32 $0x0;
	v0 =	vimm.s32 $0xFEDCBA98;
	v1 =	vimm.s32 $0x76543210  }
0x3: {  	s29 =	srdreg.scid;
	s5 =	stileid.u32;
	v2 =	vimm.s32 $0x3210FEDC;
	v3 =	vimm.s32 $0xBA987654;
	s8 =	simm.s32 $0x400  }
0x4: {  	v4 =	vimm.s32 $0x10FEDCBA;
	s10 =	simm.s32 $0x80;
	s11 =	simm.s32 $0x3;
	v5 =	vimm.s32 $0x98765432;
	v6 =	vimm.s32 $0xFEDCBA9;
	s19 =	simm.s32 $0x1  }
0x5: {  	v7 =	vimm.s32 $0x87654321;
	s22 =	simm.s32 $0x2;
	s26 =	simm.s32 $0x0;
	[smem:$0x7FF] =	sst s2;
	v0 =	vunpack.c.l.s4.s8 v0;
	v1 =	vunpack.c.l.s4.s8 v1  }
0x6: {  	s3 =	sadd.s32 $0xF42C00, s1;
	s2 =	sand.u32 $0x1, s29;
	s4 =	sshll.u32 s5, $0x5;
	v2 =	vunpack.c.l.s4.s8 v2;
	v3 =	vunpack.c.l.s4.s8 v3;
	v4 =	vunpack.c.l.s4.s8 v4  }
0x7: {  	s5 =	sshll.u32 s5, $0x7;
	v5 =	vunpack.c.l.s4.s8 v5;
	v6 =	vunpack.c.l.s4.s8 v6;
	v7 =	vunpack.c.l.s4.s8 v7;
	s6 =	sshll.u32 s2, $0x4;
	s4 =	sand.u32 $0x60, s4  }
0x8: {  	_ =	strace $0x80000047;
	s5 =	sand.u32 $0x600, s5;
	v0 =	vunpack.c.0.s8.s32 v0;
	s6 =	sor.u32 s6, s4;
	v1 =	vunpack.c.0.s8.s32 v1;
	v2 =	vunpack.c.0.s8.s32 v2  }
0x9: {  	s2 =	ssub.s32 $0x2, s2;
	s4 =	sadd.s32 $0x16E3E00, s1;
	v3 =	vunpack.c.0.s8.s32 v3;
	v4 =	vunpack.c.0.s8.s32 v4;
	v5 =	vunpack.c.0.s8.s32 v5;
	s5 =	sor.u32 s5, s6  }
0xa: {  	s30 =	sshrl.u32 s2, $0x1;
	v6 =	vunpack.c.0.s8.s32 v6;
	v7 =	vunpack.c.0.s8.s32 v7;
	v0 =	vand.u32 $0xF, v0;
	s1 =	sadd.s32 s5, s1;
	s0 =	sadd.s32 s0, s5  }
0xb: {  	s2 =	ssub.s32 s2, s30;
	[dreg:$0x3] =	wrdreg s0;
	s31 =	sadd.s32 $0x800, s1;
	v0 =	vcombine.low v0, v1;
	v1 =	vcombine.low v3, v2  }
0xc: {  	s9 =	smax.u32 s2, $0x1;
	s7 =	sadd.s32 $0x1000, s1;
	v2 =	vcombine.low v5, v4;
	v3 =	vcombine.low v7, v6;
	v4 =	vlaneseq.u32;
	[dreg:$0x4] =	wrdreg s31  }
.LBB2_1:
0xd: {  	s0 =	simm.s32 $0x0;
	s1 =	rddreg [dreg:$0x3]  }
0xe: {  	[tilespmem:s0], [sflag:$0x3] =	stream.strided.gather [hbm4b:s1+s10], $0x200, s8, s10, $0x38;
	[tilespmem:$0x10B00] =	vst v63  }
0xf: {  	_ =	swait.ge [sflag:s11], $0x200  }
0x10: {  	[sflag:s11] =	ssyncset.done $0x0  }
0x11: {  	s31 =	simm.s32 $0x280;
	s30 =	rddreg [dreg:$0x4];
	[sflag:s11] =	ssyncadd.s32 $0xFFFFFE00  }
0x12: {  	[tilespmem:s31], [sflag:$0x3] =	stream.strided.gather [hbm4b:s30+s10], $0x200, s8, s10, $0x38;
	[tilespmem:$0x10B00] =	vst v63  }
0x13: {  	_ =	swait.ge [sflag:s11], $0x200  }
0x14: {  	[sflag:s11] =	ssyncset.done $0x0  }
0x15: {  	s0 =	simm.s32 $0x0;
	[sflag:s11] =	ssyncadd.s32 $0xFFFFFE00  }
0x16: {  	v5 =	vld [tilespmem:s0+$0x280]  }
0x17: {  	s1 =	simm.s32 $0x40;
	v6 =	vld [tilespmem:s0+$0x0]  }
.LBB2_2:
0x18: {  	p0 =	sne.s32 s1, $0x7C0  }
.Ltmp0:
0x19: {  	_ = 	snop;
	(pc) =	sbr.rel @p0 .LBB2_2-.Ltmp0, $4  }
0x1a: {  	_ = 	snop  }
0x1b: {  	s2 =	sshra.s32 s1, $0x2;
	s1 =	sadd.s32 $0x40, s1;
	v7 =	vshrl.u32 v5, $0x1  }
0x1c: {  	v5 =	vld [tilespmem:s2+$0x280];
	v8 =	vshrl.u32 v6, $0x1;
	[tilespmem:s0+$0x700] =	vst v7  }
0x1d: {  	v6 =	vld [tilespmem:s2+$0x0];
	[tilespmem:s0+$0x500] =	vst v8;
	s0 =	smov.u32 s2  }
0x1e: {  	_ =	sdelay $0x2  }
0x1f: {  	v5 =	vshrl.u32 v5, $0x1  }
0x20: {  	v6 =	vshrl.u32 v6, $0x1;
	[tilespmem:s0+$0x700] =	vst v5  }
0x21: {  	s28 =	simm.s32 $0x900;
	s20 =	simm.s32 $0x500;
	[tilespmem:s0+$0x500] =	vst v6  }
0x22: {  	[tilespmem:s28], [sflag:$0x1] =	stream.indirect.gather [hbm4b:s3+s10], $0x80, s20, s10, $0xb8;
	[tilespmem:$0x10B00] =	vst v63  }
0x23: {  	s29 =	simm.s32 $0x8900;
	s21 =	simm.s32 $0x700  }
0x24: {  	[tilespmem:s29], [sflag:$0x1] =	stream.indirect.gather [hbm4b:s4+s10], $0x80, s21, s10, $0xb8;
	[tilespmem:$0x10B00] =	vst v63  }
0x25: {  	s23 =	simm.s32 $0x580;
	s1 =	simm.s32 $0x4900  }
0x26: {  	[tilespmem:s1], [sflag:$0x2] =	stream.indirect.gather [hbm4b:s3+s10], $0x80, s23, s10, $0xb8;
	[tilespmem:$0x10B00] =	vst v63  }
0x27: {  	s24 =	simm.s32 $0x780;
	s25 =	simm.s32 $0xC900  }
0x28: {  	[tilespmem:s25], [sflag:$0x2] =	stream.indirect.gather [hbm4b:s4+s10], $0x80, s24, s10, $0xb8;
	[tilespmem:$0x10B00] =	vst v63  }
0x29: {  	_ =	swait.ge [sflag:s19], $0x4000  }
0x2a: {  	[sflag:s19] =	ssyncset.done $0x0  }
0x2b: {  	[sflag:s19] =	ssyncadd.s32 $0xFFFFC000  }
0x2c: {  	_ =	swait.ge [sflag:s19], $0x4000  }
0x2d: {  	s30 =	simm.s32 $0x0;
	s31 =	simm.s32 $0x280;
	[sflag:s19] =	ssyncset.done $0x0  }
0x2e: {  	s2 =	simm.s32 $0x0;
	s0 =	simm.s32 $0x0;
	[sflag:s19] =	ssyncadd.s32 $0xFFFFC000  }
.LBB2_4:
0x2f: {  	v5 =	vld [tilespmem:s31+$0x0];
	_ =	sdelay $0x1  }
0x30: {  	v6 =	vld [tilespmem:s0+$0x0];
	_ =	sdelay $0x2  }
0x31: {  	(v2sf) =	vpush v5, $0x0;
	_ =	sdelay $0x1  }
0x32: {  	s1 =	sadd.s32 $0x1, s31;
	(v2sf) =	vpush v6, $0x0  }
0x33: {  	s12 =	sadd.s32 $0x1, s0;
	v5 =	vld [tilespmem:s1+$0x0]  }
0x34: {  	v6 =	vld [tilespmem:s12+$0x0];
	_ =	sdelay $0x3  }
0x35: {  	(v2sf) =	vpush v5, $0x0  }
0x36: {  	(v2sf) =	vpush v6, $0x0;
	_ =	sdelay $0x1  }
0x37: {  	s1 =	sadd.s32 $0x1, s1  }
0x38: {  	s12 =	sadd.s32 $0x1, s12;
	v6 =	vld [tilespmem:s1+$0x0]  }
0x39: {  	v7 =	vld [tilespmem:s12+$0x0];
	_ =	sdelay $0x1  }
0x3a: {  	s12 =	sadd.s32 $0x1, s12;
	v5 =	vmov s29;
	s13 =	spop (v2sf)  }
0x3b: {  	v12 =	vld [tilespmem:s12+$0x0];
	s12 =	sadd.s32 $0x1, s12;
	s13 =	sand.u32 $0x1, s13  }
0x3c: {  	v19 =	vld [tilespmem:s12+$0x0];
	s1 =	sadd.s32 $0x1, s1;
	(v2sf) =	vpush v6, $0x0;
	v6 =	vmov s28;
	s14 =	spop (v2sf);
	s13 =	sshll.u32 s13, $0x8  }
0x3d: {  	(v2sf) =	vpush v7, $0x0;
	v7 =	vld [tilespmem:s1+$0x0];
	s1 =	sadd.s32 $0x1, s1;
	s14 =	sand.u32 $0x1, s14;
	s15 =	sadd.s32 $0x0, s13  }
0x3e: {  	v17 =	vld [tilespmem:s1+$0x0];
	s14 =	sshll.u32 s14, $0x8;
	s15 =	sshra.s32 s15, $0x2  }
0x3f: {  	s13 =	sshrl.u32 s13, $0x2;
	s16 =	sshrl.u32 s14, $0x2;
	s14 =	sadd.s32 $0x0, s14;
	v8 =	vld.idx.msk [tilespmem:v5+s15+$0x30 ss:$0x1], $0xffff  }
0x40: {  	s13 =	sadd.s32 s13, s29;
	v9 =	vld.idx.msk [tilespmem:v5+s15+$0x0 ss:$0x1], $0xffff;
	s14 =	sshra.s32 s14, $0x2  }
0x41: {  	s16 =	sadd.s32 s16, s28;
	s13 =	sadd.s32 $0x0, s13;
	v13 =	vld.idx.msk [tilespmem:v6+s14+$0x0 ss:$0x1], $0xffff  }
0x42: {  	s25 =	spop (v2sf);
	s24 =	sadd.s32 $0x0, s16;
	v14 =	vld [tilespmem:s13+$0x10]  }
0x43: {  	s5 =	spop (v2sf);
	v11 =	vld [tilespmem:s24+$0x10]  }
0x44: {  	s15 =	sand.u32 $0x1, s25;
	v15 =	vld [tilespmem:s13+$0x20];
	(v2sf) =	vpush v7, $0x0;
	s16 =	sand.u32 $0x1, s5  }
0x45: {  	s1 =	sadd.s32 $0x1, s1;
	v10 =	vld [tilespmem:s24+$0x20];
	s15 =	sshll.u32 s15, $0x8;
	(v2sf) =	vpush v12, $0x0;
	s6 =	sshll.u32 s16, $0x8  }
0x46: {  	v22 =	vld [tilespmem:s1+$0x0];
	s17 =	sadd.s32 $0x200, s15;
	s18 =	sshrl.u32 s6, $0x2  }
0x47: {  	v7 =	vld.idx.msk [tilespmem:v6+s14+$0x30 ss:$0x1], $0xffff;
	s17 =	sshra.s32 s17, $0x2;
	s14 =	sadd.s32 s18, s28  }
0x48: {  	s15 =	sshrl.u32 s15, $0x2;
	v12 =	vld.idx.msk [tilespmem:v5+s17+$0x0 ss:$0x1], $0xffff;
	s14 =	sadd.s32 $0x80, s14;
	v9 =	vmul.f32 v9, v13;
	v11 =	vmul.f32 v14, v11  }
0x49: {  	s20 =	sadd.s32 s15, s29;
	v14 =	vld [tilespmem:s14+$0x20]  }
0x4a: {  	s13 =	sadd.s32 $0x200, s6;
	v18 =	vld [tilespmem:s14+$0x10];
	v10 =	vmul.f32 v15, v10;
	s14 =	sadd.s32 $0x80, s20;
	v9 =	vadd.f32 v11, v9  }
0x4b: {  	s13 =	sshra.s32 s13, $0x2;
	v15 =	vld [tilespmem:s14+$0x20];
	s21 =	spop (v2sf)  }
0x4c: {  	v7 =	vmul.f32 v8, v7;
	v11 =	vld.idx.msk [tilespmem:v6+s13+$0x0 ss:$0x1], $0xffff;
	s15 =	sand.u32 $0x1, s21;
	v8 =	vadd.f32 v10, v9  }
0x4d: {  	(v2sf) =	vpush v17, $0x0;
	s23 =	spop (v2sf);
	v9 =	vld [tilespmem:s14+$0x10];
	s24 =	sshll.u32 s15, $0x8  }
0x4e: {  	v16 =	vld.idx.msk [tilespmem:v5+s17+$0x30 ss:$0x1], $0xffff;
	s25 =	sand.u32 $0x1, s23;
	s5 =	sadd.s32 $0x400, s24;
	v7 =	vadd.f32 v7, v8  }
0x4f: {  	s14 =	simm.s32 $0x800;
	s20 =	sshll.u32 s25, $0x8;
	v8 =	vld.idx.msk [tilespmem:v6+s13+$0x30 ss:$0x1], $0xffff;
	s16 =	sshra.s32 s5, $0x2  }
0x50: {  	(v2sf) =	vpush v19, $0x0;
	s17 =	sshrl.u32 s24, $0x2;
	s6 =	sshrl.u32 s20, $0x2;
	s20 =	sadd.s32 $0x400, s20;
	v10 =	vld.idx.msk [tilespmem:v5+s16+$0x30 ss:$0x1], $0xffff;
	v20 =	vperm.xlane v7, v0  }
0x51: {  	s15 =	simm.s32 $0x600;
	v15 =	vmul.f32 v15, v14;
	s18 =	sadd.s32 s17, s29;
	v13 =	vld.idx.msk [tilespmem:v5+s16+$0x0 ss:$0x1], $0xffff;
	s5 =	sshra.s32 s20, $0x2  }
0x52: {  	s23 =	sadd.s32 $0x1, s12;
	v21 =	vmul.f32 v12, v11;
	s21 =	sadd.s32 s6, s28;
	s24 =	sadd.s32 $0x100, s18;
	v9 =	vmul.f32 v9, v18;
	v14 =	vld.idx.msk [tilespmem:v6+s5+$0x0 ss:$0x1], $0xffff;
	v18 =	vadd.f32 v7, v20  }
0x53: {  	s12 =	simm.s32 $0x1;
	s21 =	sadd.s32 $0x100, s21;
	s25 =	spop (v2sf);
	v17 =	vld [tilespmem:s24+$0x10]  }
0x54: {  	s13 =	simm.s32 $0xA00;
	s17 =	simm.s32 $0xC00;
	(v2sf) =	vpush v22, $0x0;
	v11 =	vld [tilespmem:s21+$0x20];
	s6 =	spop (v2sf);
	v9 =	vadd.f32 v9, v21;
	v20 =	vperm.xlane v18, v1  }
0x55: {  	s20 =	sadd.s32 $0x1, s23;
	s25 =	sand.u32 $0x1, s25;
	v21 =	vld [tilespmem:s23+$0x0];
	s18 =	sand.u32 $0x1, s6  }
0x56: {  	v12 =	vld [tilespmem:s21+$0x10];
	s21 =	simm.s32 $0x180;
	v16 =	vmul.f32 v16, v8;
	s6 =	sshll.u32 s25, $0x8;
	s23 =	sshll.u32 s18, $0x8;
	v23 =	vadd.f32 v15, v9;
	v15 =	vadd.f32 v18, v20  }
0x57: {  	v19 =	vld [tilespmem:s24+$0x20];
	v7 =	vimm.f32 $0.0e+00;
	v8 =	vmov s12;
	s25 =	sadd.s32 $0x600, s6;
	s16 =	sshrl.u32 s6, $0x2;
	s18 =	sshrl.u32 s23, $0x2  }
0x58: {  	v9 =	vmov s30;
	s25 =	sshra.s32 s25, $0x2;
	s16 =	sadd.s32 s16, s29;
	s24 =	sadd.s32 s18, s28;
	v18 =	vld.idx.msk [tilespmem:v6+s5+$0x30 ss:$0x1], $0xffff;
	v16 =	vadd.f32 v16, v23;
	v20 =	vperm.xlane v15, v2  }
.LBB2_5:
0x59: {  	s1 =	sadd.s32 $0x1, s1;
	s5 =	sadd.s32 s23, s15;
	s16 =	sadd.s32 s21, s16  }
0x5a: {  	(v2sf) =	vpush v21, $0x0;
	v22 =	vld.idx.msk [tilespmem:v5+s25+$0x30 ss:$0x1], $0xffff;
	s15 =	smov.u32 s14;
	s14 =	smov.u32 s13;
	s13 =	smov.u32 s17  }
0x5b: {  	p0 =	sne.s32 s17, $0x1E00;
	s17 =	sadd.s32 $0x200, s17;
	v21 =	vperm.xlane v16, v0;
	v23 =	vld.idx.msk [tilespmem:v5+s25+$0x0 ss:$0x1], $0xffff;
	v15 =	vadd.f32 v15, v20  }
0x5c: {  	s21 =	sadd.s32 s21, s24;
	v13 =	vmul.f32 v13, v14;
	v20 =	vld [tilespmem:s1+$0x0];
	s18 =	spop (v2sf);
	v14 =	vmul.f32 v17, v12  }
0x5d: {  	v16 =	vadd.f32 v16, v21;
	v17 =	vmul.f32 v19, v11;
	v11 =	vld [tilespmem:s21+$0x20];
	v19 =	vperm.xlane v15, v3  }
0x5e: {  	s12 =	sadd.s32 $0x1, s12;
	v12 =	vld [tilespmem:s21+$0x10];
	v26 =	vadd.f32 v14, v13  }
.Ltmp1:
0x5f: {  	s5 =	sshra.s32 s5, $0x2;
	v18 =	vmul.f32 v10, v18;
	v24 =	vperm.xlane v16, v1;
	v21 =	vld [tilespmem:s20+$0x0];
	s21 =	spop (v2sf);
	v19 =	vadd.f32 v15, v19;
	(pc) =	sbr.rel @p0 .LBB2_5-.Ltmp1, $4  }
0x60: {  	vm0 =	veq.s32 v9, v4;
	v9 =	vmovc v8;
	v8 =	vmov s12;
	s18 =	sand.u32 $0x1, s18;
	v10 =	vmovc v22;
	s23 =	sand.u32 $0x1, s21;
	s21 =	sshra.s32 s15, $0x2;
	v14 =	vld.idx.msk [tilespmem:v6+s5+$0x0 ss:$0x1], $0xffff;
	v25 =	vadd.f32 v17, v26  }
0x61: {  	s18 =	sshll.u32 s18, $0x8;
	s20 =	sadd.s32 $0x1, s20;
	v15 =	vadd.f32 v16, v24;
	v13 =	vmovc v23;
	(v2sf) =	vpush v20, $0x0;
	s23 =	sshll.u32 s23, $0x8;
	v17 =	vld [tilespmem:s16+$0x10];
	v7 =	vsel vm0, v19, v7  }
0x62: {  	s24 =	sadd.s32 s18, s15;
	s18 =	sshrl.u32 s18, $0x2;
	s6 =	sshrl.u32 s23, $0x2;
	v19 =	vld [tilespmem:s16+$0x20];
	v16 =	vadd.f32 v18, v25  }
0x63: {  	s25 =	sshra.s32 s24, $0x2;
	s16 =	sadd.s32 s18, s29;
	v20 =	vperm.xlane v15, v2;
	s24 =	sadd.s32 s6, s28;
	v18 =	vld.idx.msk [tilespmem:v6+s5+$0x30 ss:$0x1], $0xffff  }
0x64: {  	_ =	sdelay $0x1  }
0x65: {  	(v2sf) =	vpush v21, $0x0;
	_ =	sdelay $0x1  }
0x66: {  	v57 =	vld.idx.msk [tilespmem:v5+s25+$0x30 ss:$0x1], $0xffff  }
0x67: {  	v22 =	vld.idx.msk [tilespmem:v5+s25+$0x0 ss:$0x1], $0xffff;
	s1 =	sadd.s32 s21, s24  }
0x68: {  	v23 =	vld [tilespmem:s1+$0x20]  }
0x69: {  	s6 =	spop (v2sf);
	s17 =	sadd.s32 s21, s16;
	v24 =	vld [tilespmem:s1+$0x10]  }
0x6a: {  	s5 =	sadd.s32 s23, s15;
	s6 =	sand.u32 $0x1, s6;
	v26 =	vld [tilespmem:s17+$0x10]  }
0x6b: {  	s25 =	sshra.s32 s5, $0x2;
	v27 =	vld [tilespmem:s17+$0x20];
	s6 =	sshll.u32 s6, $0x8  }
0x6c: {  	v25 =	vld.idx.msk [tilespmem:v6+s25+$0x0 ss:$0x1], $0xffff;
	s20 =	sadd.s32 s6, s14  }
0x6d: {  	v28 =	vld.idx.msk [tilespmem:v6+s25+$0x30 ss:$0x1], $0xffff;
	s6 =	sshrl.u32 s6, $0x2;
	s16 =	sshra.s32 s20, $0x2;
	s18 =	spop (v2sf)  }
0x6e: {  	s23 =	sshra.s32 s14, $0x2;
	s6 =	sadd.s32 s6, s29;
	v29 =	vld.idx.msk [tilespmem:v5+s16+$0x30 ss:$0x1], $0xffff;
	s15 =	sand.u32 $0x1, s18  }
0x6f: {  	v30 =	vld.idx.msk [tilespmem:v5+s16+$0x0 ss:$0x1], $0xffff;
	s1 =	sadd.s32 s23, s6;
	s15 =	sshll.u32 s15, $0x8  }
0x70: {  	v34 =	vld [tilespmem:s1+$0x10];
	s21 =	sshrl.u32 s15, $0x2;
	s24 =	sadd.s32 s15, s14  }
0x71: {  	v35 =	vld [tilespmem:s1+$0x20];
	s5 =	sadd.s32 s21, s28;
	s14 =	sshra.s32 s24, $0x2;
	s25 =	spop (v2sf)  }
0x72: {  	s5 =	sadd.s32 s23, s5;
	v33 =	vld.idx.msk [tilespmem:v6+s14+$0x0 ss:$0x1], $0xffff;
	s17 =	sand.u32 $0x1, s25  }
0x73: {  	s21 =	sshra.s32 s13, $0x2;
	v31 =	vld [tilespmem:s5+$0x20];
	s6 =	sshll.u32 s17, $0x8;
	s16 =	spop (v2sf)  }
0x74: {  	v32 =	vld [tilespmem:s5+$0x10];
	s18 =	sadd.s32 s6, s13;
	s6 =	sshrl.u32 s6, $0x2;
	s5 =	sand.u32 $0x1, s16  }
0x75: {  	v36 =	vld.idx.msk [tilespmem:v6+s14+$0x30 ss:$0x1], $0xffff;
	s15 =	sshra.s32 s18, $0x2;
	s6 =	sadd.s32 s6, s29;
	s5 =	sshll.u32 s5, $0x8  }
0x76: {  	v37 =	vld.idx.msk [tilespmem:v5+s15+$0x0 ss:$0x1], $0xffff;
	s1 =	sadd.s32 s21, s6;
	s20 =	sshrl.u32 s5, $0x2;
	s5 =	sadd.s32 s5, s13  }
0x77: {  	v60 =	vld [tilespmem:s1+$0x10];
	s16 =	sadd.s32 s20, s28;
	s5 =	sshra.s32 s5, $0x2  }
0x78: {  	v13 =	vmul.f32 v13, v14;
	v12 =	vmul.f32 v17, v12;
	s23 =	sadd.s32 s21, s16;
	v59 =	vld.idx.msk [tilespmem:v6+s5+$0x0 ss:$0x1], $0xffff  }
0x79: {  	v61 =	vperm.xlane v16, v0;
	v58 =	vld [tilespmem:s23+$0x10]  }
0x7a: {  	v11 =	vmul.f32 v19, v11;
	v12 =	vadd.f32 v12, v13;
	v63 =	vmul.f32 v22, v25;
	v25 =	vld [tilespmem:s1+$0x20]  }
0x7b: {  	vm0 =	veq.s32 v9, v4;
	v16 =	vadd.f32 v16, v61;
	v26 =	vmul.f32 v26, v24;
	v62 =	vld [tilespmem:s23+$0x20]  }
0x7c: {  	v10 =	vmul.f32 v10, v18;
	v11 =	vadd.f32 v11, v12;
	v27 =	vmul.f32 v27, v23;
	v5 =	vld.idx.msk [tilespmem:v5+s15+$0x30 ss:$0x1], $0xffff  }
0x7d: {  	v12 =	vadd.f32 v26, v63;
	v30 =	vmul.f32 v30, v33;
	v33 =	vmul.f32 v34, v32;
	v6 =	vld.idx.msk [tilespmem:v6+s5+$0x30 ss:$0x1], $0xffff  }
0x7e: {  	v10 =	vadd.f32 v10, v11;
	v17 =	vmul.f32 v37, v59;
	v13 =	vmul.f32 v60, v58  }
0x7f: {  	v12 =	vadd.f32 v27, v12;
	v11 =	vadd.f32 v33, v30;
	v37 =	vmul.f32 v35, v31  }
0x80: {  	v34 =	vmul.f32 v57, v28;
	v18 =	vmul.f32 v25, v62;
	v13 =	vadd.f32 v13, v17  }
0x81: {  	v38 =	vperm.xlane v10, v0;
	v39 =	vmul.f32 v29, v36;
	v11 =	vadd.f32 v37, v11  }
0x82: {  	v12 =	vadd.f32 v34, v12;
	v5 =	vmul.f32 v5, v6;
	v6 =	vadd.f32 v18, v13  }
0x83: {  	vm11 =	veq.s32 v8, v4;
	v41 =	vperm.xlane v16, v1;
	v11 =	vadd.f32 v39, v11  }
0x84: {  	v10 =	vadd.f32 v10, v38;
	v42 =	vperm.xlane v12, v0;
	v5 =	vadd.f32 v5, v6  }
0x85: {  	v15 =	vadd.f32 v15, v20;
	v43 =	vadd.f32 v16, v41;
	v44 =	vperm.xlane v11, v0  }
0x86: {  	v45 =	vperm.xlane v10, v1;
	v12 =	vadd.f32 v12, v42;
	v46 =	vperm.xlane v5, v0  }
0x87: {  	v40 =	vperm.xlane v15, v3;
	v48 =	vperm.xlane v43, v2;
	v11 =	vadd.f32 v11, v44  }
0x88: {  	v10 =	vadd.f32 v10, v45;
	v49 =	vperm.xlane v12, v1;
	v5 =	vadd.f32 v5, v46  }
0x89: {  	v50 =	vadd.f32 v43, v48;
	v6 =	vadd.f32 v15, v40;
	v51 =	vperm.xlane v11, v1  }
0x8a: {  	v12 =	vadd.f32 v12, v49;
	v15 =	vperm.xlane v10, v2;
	v52 =	vperm.xlane v5, v1  }
0x8b: {  	s24 =	sadd.s32 $0x1, s12;
	v6 =	vsel vm0, v6, v7;
	v7 =	vperm.xlane v50, v3;
	v11 =	vadd.f32 v11, v51  }
0x8c: {  	v47 =	vmov s24;
	v53 =	vperm.xlane v12, v2;
	v5 =	vadd.f32 v5, v52  }
0x8d: {  	v10 =	vadd.f32 v10, v15;
	v7 =	vadd.f32 v50, v7;
	v54 =	vperm.xlane v11, v2  }
0x8e: {  	vm12 =	veq.s32 v47, v4;
	v12 =	vadd.f32 v12, v53;
	v56 =	vperm.xlane v5, v2  }
0x8f: {  	s1 =	sadd.s32 $0x1, s24;
	v55 =	vperm.xlane v10, v3;
	v6 =	vsel vm11, v7, v6;
	v7 =	vadd.f32 v11, v54  }
0x90: {  	v57 =	vmov s1;
	v59 =	vperm.xlane v12, v3;
	v5 =	vadd.f32 v5, v56  }
0x91: {  	s25 =	sshll.u32 s2, $0x4;
	s2 =	sadd.s32 $0x1, s2;
	s1 =	sadd.s32 $0x1, s1;
	vm13 =	veq.s32 v57, v4;
	v58 =	vadd.f32 v10, v55;
	v11 =	vperm.xlane v7, v3  }
0x92: {  	p0 =	sne.s32 s2, $0x8;
	v60 =	vmov s1;
	s1 =	sadd.s32 $0x1, s1;
	v61 =	vadd.f32 v12, v59;
	v62 =	vperm.xlane v5, v3  }
.Ltmp2:
0x93: {  	v63 =	vmov s1;
	v6 =	vsel vm12, v58, v6;
	v7 =	vadd.f32 v7, v11;
	(pc) =	sbr.rel @p0 .LBB2_4-.Ltmp2, $4  }
0x94: {  	vm14 =	veq.s32 v60, v4;
	v6 =	vsel vm13, v61, v6;
	v5 =	vadd.f32 v5, v62  }
0x95: {  	vm15 =	veq.s32 v63, v4;
	v6 =	vsel vm14, v7, v6  }
0x96: {  	s31 =	sadd.s32 $0x10, s31;
	s1 =	sand.u32 $0x3FFFFFF0, s25;
	v5 =	vsel vm15, v5, v6  }
0x97: {  	s0 =	sadd.s32 $0x10, s0;
	s29 =	sadd.s32 $0x800, s29;
	s28 =	sadd.s32 $0x800, s28;
	[tilespmem:s1+$0x10900] =	vst v5  }
0x98: {  	s0 =	simm.s32 $0x80;
	s2 =	simm.s32 $0x900;
	s1 =	simm.s32 $0x600  }
0x99: {  	[tilespmem:s2], [sflag:$0x1] =	stream.indirect.gather [hbm4b:s3+s0], $0x80, s1, s0, $0xb8;
	[tilespmem:$0x10B00] =	vst v63  }
0x9a: {  	s28 =	simm.s32 $0x8900;
	s31 =	simm.s32 $0x800  }
0x9b: {  	[tilespmem:s28], [sflag:$0x1] =	stream.indirect.gather [hbm4b:s4+s0], $0x80, s31, s0, $0xb8;
	[tilespmem:$0x10B00] =	vst v63  }
0x9c: {  	_ =	swait.ge [sflag:s22], $0x4000  }
0x9d: {  	[sflag:s22] =	ssyncset.done $0x0  }
0x9e: {  	[sflag:s22] =	ssyncadd.s32 $0xFFFFC000  }
0x9f: {  	_ =	swait.ge [sflag:s22], $0x4000  }
0xa0: {  	[sflag:s22] =	ssyncset.done $0x0  }
0xa1: {  	s29 =	simm.s32 $0x0;
	s30 =	simm.s32 $0x300;
	[sflag:s22] =	ssyncadd.s32 $0xFFFFC000  }
.LBB2_8:
0xa2: {  	v5 =	vld [tilespmem:s0+$0x0];
	_ =	sdelay $0x3  }
0xa3: {  	v6 =	vld [tilespmem:s30+$0x0]  }
0xa4: {  	(v2sf) =	vpush v5, $0x0;
	_ =	sdelay $0x2  }
0xa5: {  	s1 =	sadd.s32 $0x1, s0  }
0xa6: {  	s5 =	sadd.s32 $0x1, s30;
	v5 =	vld [tilespmem:s1+$0x0];
	(v2sf) =	vpush v6, $0x0  }
0xa7: {  	v6 =	vld [tilespmem:s5+$0x0];
	_ =	sdelay $0x3  }
0xa8: {  	(v2sf) =	vpush v5, $0x0  }
0xa9: {  	(v2sf) =	vpush v6, $0x0;
	_ =	sdelay $0x2  }
0xaa: {  	s1 =	sadd.s32 $0x1, s1  }
0xab: {  	v5 =	vld [tilespmem:s1+$0x0]  }
0xac: {  	s5 =	sadd.s32 $0x1, s5;
	s6 =	spop (v2sf)  }
0xad: {  	s1 =	sadd.s32 $0x1, s1;
	v6 =	vld [tilespmem:s5+$0x0];
	s6 =	sand.u32 $0x1, s6  }
0xae: {  	s5 =	sadd.s32 $0x1, s5;
	v8 =	vld [tilespmem:s1+$0x0];
	s6 =	sshll.u32 s6, $0x6  }
0xaf: {  	s1 =	sadd.s32 $0x1, s1;
	v7 =	vld [tilespmem:s5+$0x0];
	s6 =	sadd.s32 s6, s2  }
0xb0: {  	v17 =	vld [tilespmem:s1+$0x0];
	(v2sf) =	vpush v5, $0x0;
	s12 =	spop (v2sf);
	s6 =	sadd.s32 $0x0, s6  }
0xb1: {  	s12 =	sand.u32 $0x1, s12;
	v5 =	vld [tilespmem:s6+$0x4020]  }
0xb2: {  	(v2sf) =	vpush v6, $0x0;
	s12 =	sshll.u32 s12, $0x6;
	v9 =	vld [tilespmem:s6+$0x4000]  }
0xb3: {  	s12 =	sadd.s32 s12, s28;
	v11 =	vld [tilespmem:s6+$0x4010]  }
0xb4: {  	s12 =	sadd.s32 $0x0, s12;
	v14 =	vld [tilespmem:s6+$0x4030]  }
0xb5: {  	s13 =	spop (v2sf);
	v10 =	vld [tilespmem:s12+$0x4010]  }
0xb6: {  	s13 =	sand.u32 $0x1, s13;
	v12 =	vld [tilespmem:s12+$0x4000];
	s14 =	spop (v2sf)  }
0xb7: {  	(v2sf) =	vpush v8, $0x0;
	v6 =	vld [tilespmem:s12+$0x4020];
	s13 =	sshll.u32 s13, $0x6;
	s15 =	sand.u32 $0x1, s14  }
0xb8: {  	s5 =	sadd.s32 $0x1, s5;
	v13 =	vld [tilespmem:s12+$0x4030];
	s13 =	sadd.s32 s13, s2;
	s16 =	sshll.u32 s15, $0x6  }
0xb9: {  	v15 =	vld [tilespmem:s5+$0x0];
	(v2sf) =	vpush v7, $0x0;
	s13 =	sadd.s32 $0x80, s13;
	s6 =	sadd.s32 s16, s28  }
0xba: {  	v8 =	vld [tilespmem:s13+$0x4020];
	s6 =	sadd.s32 $0x80, s6  }
0xbb: {  	v7 =	vmul.f32 v10, v11;
	v9 =	vmul.f32 v12, v9;
	v10 =	vld [tilespmem:s6+$0x4020]  }
0xbc: {  	v12 =	vld [tilespmem:s13+$0x4000]  }
0xbd: {  	v5 =	vmul.f32 v6, v5;
	v11 =	vmul.f32 v13, v14;
	v13 =	vld [tilespmem:s6+$0x4030];
	v6 =	vadd.f32 v7, v9  }
0xbe: {  	v7 =	vld [tilespmem:s6+$0x4010]  }
0xbf: {  	v9 =	vld [tilespmem:s13+$0x4010];
	s17 =	spop (v2sf);
	v5 =	vadd.f32 v5, v6  }
0xc0: {  	v6 =	vld [tilespmem:s6+$0x4000];
	s12 =	sand.u32 $0x1, s17  }
0xc1: {  	s15 =	sadd.s32 $0x1, s5;
	v14 =	vld [tilespmem:s13+$0x4030];
	s18 =	spop (v2sf);
	s12 =	sshll.u32 s12, $0x6;
	v5 =	vadd.f32 v11, v5  }
0xc2: {  	s17 =	sadd.s32 $0x1, s1;
	s20 =	sand.u32 $0x1, s18;
	v11 =	vld [tilespmem:s15+$0x0];
	s12 =	sadd.s32 s12, s2  }
0xc3: {  	(v2sf) =	vpush v17, $0x0;
	v16 =	vld [tilespmem:s17+$0x0];
	s6 =	sshll.u32 s20, $0x6;
	s12 =	sadd.s32 $0x100, s12;
	v19 =	vperm.xlane v5, v0  }
0xc4: {  	(v2sf) =	vpush v15, $0x0;
	s21 =	sadd.s32 s6, s28;
	v18 =	vld [tilespmem:s12+$0x4020]  }
0xc5: {  	v7 =	vmul.f32 v7, v9;
	s5 =	sadd.s32 $0x100, s21;
	v9 =	vmul.f32 v6, v12;
	v6 =	vld [tilespmem:s12+$0x4000];
	v5 =	vadd.f32 v5, v19  }
0xc6: {  	s23 =	spop (v2sf);
	v12 =	vld [tilespmem:s5+$0x4020]  }
0xc7: {  	s14 =	simm.s32 $0x800;
	v8 =	vmul.f32 v10, v8;
	v10 =	vld [tilespmem:s12+$0x4010];
	s24 =	sand.u32 $0x1, s23;
	v9 =	vadd.f32 v7, v9;
	v19 =	vperm.xlane v5, v1  }
0xc8: {  	s1 =	simm.s32 $0xA00;
	v17 =	vmul.f32 v13, v14;
	s25 =	spop (v2sf);
	v14 =	vld [tilespmem:s5+$0x4000];
	s6 =	sshll.u32 s24, $0x6  }
0xc9: {  	s20 =	simm.s32 $0xC00;
	v7 =	vld [tilespmem:s5+$0x4010];
	s13 =	sand.u32 $0x1, s25;
	s6 =	sadd.s32 s6, s2;
	v9 =	vadd.f32 v8, v9;
	v13 =	vadd.f32 v5, v19  }
0xca: {  	s21 =	simm.s32 $0x180;
	s13 =	sshll.u32 s13, $0x6;
	v8 =	vld [tilespmem:s5+$0x4030];
	s31 =	sadd.s32 $0x180, s6;
	v5 =	vimm.f32 $0.0e+00  }
0xcb: {  	s16 =	sadd.s32 s13, s28;
	s13 =	simm.s32 $0x0;
	v15 =	vadd.f32 v17, v9;
	v9 =	vmul.f32 v12, v18;
	v12 =	vld [tilespmem:s12+$0x4030];
	s12 =	simm.s32 $0x1;
	v17 =	vperm.xlane v13, v2  }
.LBB2_9:
0xcc: {  	s17 =	sadd.s32 $0x1, s17;
	s15 =	sadd.s32 $0x1, s15;
	s5 =	sadd.s32 s21, s16  }
0xcd: {  	(v2sf) =	vpush v16, $0x0;
	v18 =	vld [tilespmem:s31+$0x4020];
	v19 =	vperm.xlane v15, v0;
	v13 =	vadd.f32 v13, v17;
	s6 =	smov.u32 s14;
	s14 =	smov.u32 s1;
	s1 =	smov.u32 s20  }
0xce: {  	p0 =	sne.s32 s20, $0x1E00;
	s20 =	sadd.s32 $0x200, s20;
	(v2sf) =	vpush v11, $0x0;
	v11 =	vld [tilespmem:s15+$0x0];
	v7 =	vmul.f32 v7, v10  }
0xcf: {  	v16 =	vld [tilespmem:s17+$0x0];
	v10 =	vmul.f32 v14, v6;
	v14 =	vadd.f32 v15, v19;
	v15 =	vperm.xlane v13, v3  }
0xd0: {  	v17 =	vmov s13;
	s13 =	smov.u32 s12;
	v19 =	vld [tilespmem:s5+$0x4020]  }
0xd1: {  	v6 =	vld [tilespmem:s31+$0x4000];
	v20 =	vadd.f32 v7, v10;
	v21 =	vperm.xlane v14, v1;
	v15 =	vadd.f32 v13, v15  }
.Ltmp3:
0xd2: {  	vm0 =	veq.s32 v17, v4;
	v12 =	vmul.f32 v8, v12;
	s16 =	spop (v2sf);
	v7 =	vld [tilespmem:s5+$0x4010];
	(pc) =	sbr.rel @p0 .LBB2_9-.Ltmp3, $4  }
0xd3: {  	s16 =	sand.u32 $0x1, s16;
	s18 =	spop (v2sf);
	v10 =	vld [tilespmem:s31+$0x4010];
	v9 =	vadd.f32 v9, v20;
	v13 =	vadd.f32 v14, v21;
	v5 =	vsel vm0, v15, v5  }
0xd4: {  	s16 =	sshll.u32 s16, $0x6;
	s18 =	sand.u32 $0x1, s18;
	v14 =	vld [tilespmem:s5+$0x4000]  }
0xd5: {  	s21 =	sshra.s32 s6, $0x2;
	s23 =	sadd.s32 s16, s2;
	s6 =	sshll.u32 s18, $0x6;
	v8 =	vld [tilespmem:s5+$0x4030];
	v15 =	vadd.f32 v12, v9;
	v17 =	vperm.xlane v13, v2  }
0xd6: {  	s12 =	sadd.s32 $0x1, s12;
	v9 =	vmul.f32 v19, v18;
	s16 =	sadd.s32 s6, s28;
	v12 =	vld [tilespmem:s31+$0x4030];
	s31 =	sadd.s32 s21, s23  }
0xd7: {  	(v2sf) =	vpush v16, $0x0;
	_ =	sdelay $0x1  }
0xd8: {  	(v2sf) =	vpush v11, $0x0;
	_ =	sdelay $0x1  }
0xd9: {  	v56 =	vld [tilespmem:s31+$0x4020]  }
0xda: {  	v21 =	vld [tilespmem:s31+$0x4000]  }
0xdb: {  	v22 =	vld [tilespmem:s31+$0x4010]  }
0xdc: {  	s5 =	sadd.s32 s21, s16;
	v23 =	vld [tilespmem:s31+$0x4030];
	s6 =	spop (v2sf)  }
0xdd: {  	v57 =	vld [tilespmem:s5+$0x4020];
	s6 =	sand.u32 $0x1, s6  }
0xde: {  	v18 =	vld [tilespmem:s5+$0x4010];
	s6 =	sshll.u32 s6, $0x6  }
0xdf: {  	s14 =	sshra.s32 s14, $0x2;
	v19 =	vld [tilespmem:s5+$0x4000];
	s6 =	sadd.s32 s6, s2  }
0xe0: {  	v20 =	vld [tilespmem:s5+$0x4030];
	s18 =	spop (v2sf);
	s6 =	sadd.s32 s14, s6  }
0xe1: {  	s5 =	sand.u32 $0x1, s18;
	v24 =	vld [tilespmem:s6+$0x4020]  }
0xe2: {  	s5 =	sshll.u32 s5, $0x6;
	v26 =	vld [tilespmem:s6+$0x4000]  }
0xe3: {  	s5 =	sadd.s32 s5, s28;
	v28 =	vld [tilespmem:s6+$0x4010]  }
0xe4: {  	s5 =	sadd.s32 s14, s5;
	v31 =	vld [tilespmem:s6+$0x4030];
	s20 =	spop (v2sf)  }
0xe5: {  	v25 =	vld [tilespmem:s5+$0x4020];
	s14 =	sand.u32 $0x1, s20  }
0xe6: {  	v27 =	vld [tilespmem:s5+$0x4010];
	s15 =	spop (v2sf);
	s14 =	sshll.u32 s14, $0x6  }
0xe7: {  	s1 =	sshra.s32 s1, $0x2;
	v29 =	vld [tilespmem:s5+$0x4000];
	s15 =	sand.u32 $0x1, s15;
	s14 =	sadd.s32 s14, s2  }
0xe8: {  	v30 =	vld [tilespmem:s5+$0x4030];
	s15 =	sshll.u32 s15, $0x6;
	s21 =	sadd.s32 s1, s14  }
0xe9: {  	s23 =	sadd.s32 s15, s28;
	v32 =	vld [tilespmem:s21+$0x4000]  }
0xea: {  	s1 =	sadd.s32 s1, s23;
	v60 =	vld [tilespmem:s21+$0x4010]  }
0xeb: {  	v7 =	vmul.f32 v7, v10;
	v6 =	vmul.f32 v14, v6;
	v58 =	vld [tilespmem:s1+$0x4010]  }
0xec: {  	v61 =	vperm.xlane v15, v0;
	v13 =	vadd.f32 v13, v17;
	v62 =	vld [tilespmem:s1+$0x4000]  }
0xed: {  	v43 =	vmov s13;
	v6 =	vadd.f32 v7, v6;
	v8 =	vmul.f32 v8, v12;
	v7 =	vld [tilespmem:s21+$0x4020]  }
0xee: {  	v54 =	vmov s12;
	v59 =	vmul.f32 v18, v22;
	v19 =	vmul.f32 v19, v21;
	v63 =	vld [tilespmem:s1+$0x4020]  }
0xef: {  	v11 =	vmul.f32 v57, v56;
	v6 =	vadd.f32 v9, v6;
	v22 =	vmul.f32 v20, v23;
	v33 =	vld [tilespmem:s21+$0x4030]  }
0xf0: {  	v14 =	vadd.f32 v59, v19;
	v28 =	vmul.f32 v27, v28;
	v29 =	vmul.f32 v29, v26;
	v23 =	vld [tilespmem:s1+$0x4030]  }
0xf1: {  	v6 =	vadd.f32 v8, v6;
	v34 =	vmul.f32 v58, v60;
	v35 =	vmul.f32 v62, v32  }
0xf2: {  	v11 =	vadd.f32 v11, v14;
	v36 =	vmul.f32 v25, v24;
	v14 =	vadd.f32 v28, v29  }
0xf3: {  	v40 =	vperm.xlane v6, v0;
	v7 =	vmul.f32 v63, v7;
	v8 =	vadd.f32 v34, v35  }
0xf4: {  	v9 =	vadd.f32 v22, v11;
	v38 =	vmul.f32 v30, v31;
	v11 =	vadd.f32 v36, v14  }
0xf5: {  	v6 =	vadd.f32 v6, v40;
	v12 =	vmul.f32 v23, v33;
	v7 =	vadd.f32 v7, v8  }
0xf6: {  	v15 =	vadd.f32 v15, v61;
	v42 =	vperm.xlane v9, v0;
	v11 =	vadd.f32 v38, v11  }
0xf7: {  	vm0 =	veq.s32 v43, v4;
	v46 =	vperm.xlane v6, v1;
	v7 =	vadd.f32 v12, v7  }
0xf8: {  	v39 =	vperm.xlane v15, v1;
	v9 =	vadd.f32 v9, v42;
	v45 =	vperm.xlane v11, v0  }
0xf9: {  	vm11 =	veq.s32 v54, v4;
	v6 =	vadd.f32 v6, v46;
	v47 =	vperm.xlane v7, v0  }
0xfa: {  	v41 =	vadd.f32 v15, v39;
	v48 =	vperm.xlane v9, v1;
	v11 =	vadd.f32 v11, v45  }
0xfb: {  	v37 =	vperm.xlane v13, v3;
	v51 =	vperm.xlane v6, v2;
	v7 =	vadd.f32 v7, v47  }
0xfc: {  	v44 =	vperm.xlane v41, v2;
	v9 =	vadd.f32 v9, v48;
	v50 =	vperm.xlane v11, v1  }
0xfd: {  	v10 =	vadd.f32 v13, v37;
	v6 =	vadd.f32 v6, v51;
	v52 =	vperm.xlane v7, v1  }
0xfe: {  	v53 =	vperm.xlane v9, v2;
	v8 =	vadd.f32 v41, v44;
	v11 =	vadd.f32 v11, v50  }
0xff: {  	v5 =	vsel vm0, v10, v5;
	v56 =	vperm.xlane v6, v3;
	v7 =	vadd.f32 v7, v52  }
0x100: {  	s24 =	sadd.s32 $0x1, s12;
	v9 =	vadd.f32 v9, v53;
	v49 =	vperm.xlane v8, v3;
	v55 =	vperm.xlane v11, v2  }
0x101: {  	v6 =	vadd.f32 v6, v56;
	v58 =	vmov s24;
	v57 =	vperm.xlane v7, v2  }
0x102: {  	s1 =	sadd.s32 $0x1, s24;
	v59 =	vperm.xlane v9, v3;
	v8 =	vadd.f32 v8, v49;
	v10 =	vadd.f32 v11, v55  }
0x103: {  	v60 =	vmov s1;
	s1 =	sadd.s32 $0x1, s1;
	vm12 =	veq.s32 v58, v4;
	v7 =	vadd.f32 v7, v57  }
0x104: {  	s31 =	sshll.u32 s29, $0x4;
	s29 =	sadd.s32 $0x1, s29;
	v61 =	vmov s1;
	v5 =	vsel vm11, v8, v5;
	v11 =	vperm.xlane v10, v3  }
0x105: {  	p0 =	sne.s32 s29, $0x8;
	v9 =	vadd.f32 v9, v59;
	v5 =	vsel vm12, v6, v5;
	v6 =	vperm.xlane v7, v3  }
.Ltmp4:
0x106: {  	vm13 =	veq.s32 v60, v4;
	s25 =	sadd.s32 $0x1, s1;
	vm14 =	veq.s32 v61, v4;
	v62 =	vadd.f32 v10, v11;
	(pc) =	sbr.rel @p0 .LBB2_8-.Ltmp4, $4  }
0x107: {  	v63 =	vmov s25;
	v5 =	vsel vm13, v9, v5;
	v6 =	vadd.f32 v7, v6  }
0x108: {  	vm15 =	veq.s32 v63, v4;
	v5 =	vsel vm14, v62, v5  }
0x109: {  	s0 =	sadd.s32 $0x10, s0;
	s1 =	sand.u32 $0x3FFFFFF0, s31;
	v5 =	vsel vm15, v6, v5  }
0x10a: {  	s30 =	sadd.s32 $0x10, s30;
	s2 =	sadd.s32 $0x800, s2;
	s28 =	sadd.s32 $0x800, s28;
	[tilespmem:s1+$0x10980] =	vst v5  }
0x10b: {  	s0 =	simm.s32 $0x4900;
	s1 =	simm.s32 $0x680  }
0x10c: {  	[tilespmem:s0], [sflag:$0x2] =	stream.indirect.gather [hbm4b:s3+s10], $0x80, s1, s10, $0xb8;
	[tilespmem:$0x10B00] =	vst v63  }
0x10d: {  	s24 =	simm.s32 $0xC900;
	s25 =	simm.s32 $0x880  }
0x10e: {  	[tilespmem:s24], [sflag:$0x2] =	stream.indirect.gather [hbm4b:s4+s10], $0x80, s25, s10, $0xb8;
	[tilespmem:$0x10B00] =	vst v63  }
0x10f: {  	_ =	swait.ge [sflag:s19], $0x4000  }
0x110: {  	[sflag:s19] =	ssyncset.done $0x0  }
0x111: {  	[sflag:s19] =	ssyncadd.s32 $0xFFFFC000  }
0x112: {  	s28 =	simm.s32 $0x0;
	s29 =	simm.s32 $0x8900;
	_ =	swait.ge [sflag:s19], $0x4000  }
0x113: {  	s30 =	simm.s32 $0x380;
	s31 =	simm.s32 $0x900;
	[sflag:s19] =	ssyncset.done $0x0  }
0x114: {  	s2 =	simm.s32 $0x0;
	s0 =	simm.s32 $0x100;
	[sflag:s19] =	ssyncadd.s32 $0xFFFFC000  }
.LBB2_12:
0x115: {  	v5 =	vld [tilespmem:s30+$0x0];
	_ =	sdelay $0x1  }
0x116: {  	v6 =	vld [tilespmem:s0+$0x0];
	_ =	sdelay $0x2  }
0x117: {  	(v2sf) =	vpush v5, $0x0;
	_ =	sdelay $0x1  }
0x118: {  	s1 =	sadd.s32 $0x1, s30;
	(v2sf) =	vpush v6, $0x0  }
0x119: {  	s5 =	sadd.s32 $0x1, s0;
	v5 =	vld [tilespmem:s1+$0x0]  }
0x11a: {  	v6 =	vld [tilespmem:s5+$0x0];
	_ =	sdelay $0x3  }
0x11b: {  	(v2sf) =	vpush v5, $0x0  }
0x11c: {  	(v2sf) =	vpush v6, $0x0;
	_ =	sdelay $0x1  }
0x11d: {  	s1 =	sadd.s32 $0x1, s1  }
0x11e: {  	s5 =	sadd.s32 $0x1, s5;
	v6 =	vld [tilespmem:s1+$0x0]  }
0x11f: {  	v7 =	vld [tilespmem:s5+$0x0];
	_ =	sdelay $0x1  }
0x120: {  	s5 =	sadd.s32 $0x1, s5;
	v5 =	vmov s29;
	s6 =	spop (v2sf)  }
0x121: {  	v12 =	vld [tilespmem:s5+$0x0];
	s5 =	sadd.s32 $0x1, s5;
	s6 =	sand.u32 $0x1, s6  }
0x122: {  	v19 =	vld [tilespmem:s5+$0x0];
	s1 =	sadd.s32 $0x1, s1;
	(v2sf) =	vpush v6, $0x0;
	v6 =	vmov s31;
	s12 =	spop (v2sf);
	s6 =	sshll.u32 s6, $0x8  }
0x123: {  	(v2sf) =	vpush v7, $0x0;
	v7 =	vld [tilespmem:s1+$0x0];
	s1 =	sadd.s32 $0x1, s1;
	s12 =	sand.u32 $0x1, s12;
	s13 =	sadd.s32 $0x0, s6  }
0x124: {  	v17 =	vld [tilespmem:s1+$0x0];
	s12 =	sshll.u32 s12, $0x8;
	s13 =	sshra.s32 s13, $0x2  }
0x125: {  	s6 =	sshrl.u32 s6, $0x2;
	s14 =	sshrl.u32 s12, $0x2;
	s12 =	sadd.s32 $0x0, s12;
	v8 =	vld.idx.msk [tilespmem:v5+s13+$0x30 ss:$0x1], $0xffff  }
0x126: {  	s6 =	sadd.s32 s6, s29;
	v9 =	vld.idx.msk [tilespmem:v5+s13+$0x0 ss:$0x1], $0xffff;
	s12 =	sshra.s32 s12, $0x2  }
0x127: {  	s14 =	sadd.s32 s14, s31;
	s6 =	sadd.s32 $0x0, s6;
	v13 =	vld.idx.msk [tilespmem:v6+s12+$0x0 ss:$0x1], $0xffff  }
0x128: {  	s20 =	spop (v2sf);
	s18 =	sadd.s32 $0x0, s14;
	v14 =	vld [tilespmem:s6+$0x10]  }
0x129: {  	s21 =	spop (v2sf);
	v11 =	vld [tilespmem:s18+$0x10]  }
0x12a: {  	s13 =	sand.u32 $0x1, s20;
	v15 =	vld [tilespmem:s6+$0x20];
	(v2sf) =	vpush v7, $0x0;
	s14 =	sand.u32 $0x1, s21  }
0x12b: {  	s1 =	sadd.s32 $0x1, s1;
	v10 =	vld [tilespmem:s18+$0x20];
	s13 =	sshll.u32 s13, $0x8;
	(v2sf) =	vpush v12, $0x0;
	s23 =	sshll.u32 s14, $0x8  }
0x12c: {  	v22 =	vld [tilespmem:s1+$0x0];
	s15 =	sadd.s32 $0x200, s13;
	s25 =	sshrl.u32 s23, $0x2  }
0x12d: {  	v7 =	vld.idx.msk [tilespmem:v6+s12+$0x30 ss:$0x1], $0xffff;
	s24 =	sshra.s32 s15, $0x2;
	s12 =	sadd.s32 s25, s31  }
0x12e: {  	s13 =	sshrl.u32 s13, $0x2;
	v12 =	vld.idx.msk [tilespmem:v5+s24+$0x0 ss:$0x1], $0xffff;
	s12 =	sadd.s32 $0x80, s12;
	v9 =	vmul.f32 v9, v13;
	v11 =	vmul.f32 v14, v11  }
0x12f: {  	s15 =	sadd.s32 s13, s29;
	v14 =	vld [tilespmem:s12+$0x20]  }
0x130: {  	s6 =	sadd.s32 $0x200, s23;
	v18 =	vld [tilespmem:s12+$0x10];
	v10 =	vmul.f32 v15, v10;
	s12 =	sadd.s32 $0x80, s15;
	v9 =	vadd.f32 v11, v9  }
0x131: {  	s6 =	sshra.s32 s6, $0x2;
	v15 =	vld [tilespmem:s12+$0x20];
	s16 =	spop (v2sf)  }
0x132: {  	v7 =	vmul.f32 v8, v7;
	v11 =	vld.idx.msk [tilespmem:v6+s6+$0x0 ss:$0x1], $0xffff;
	s13 =	sand.u32 $0x1, s16;
	v8 =	vadd.f32 v10, v9  }
0x133: {  	(v2sf) =	vpush v17, $0x0;
	s17 =	spop (v2sf);
	v9 =	vld [tilespmem:s12+$0x10];
	s16 =	sshll.u32 s13, $0x8  }
0x134: {  	v16 =	vld.idx.msk [tilespmem:v5+s24+$0x30 ss:$0x1], $0xffff;
	s18 =	sand.u32 $0x1, s17;
	s20 =	sadd.s32 $0x400, s16;
	v7 =	vadd.f32 v7, v8  }
0x135: {  	s5 =	sadd.s32 $0x1, s5;
	s21 =	sshll.u32 s18, $0x8;
	v8 =	vld.idx.msk [tilespmem:v6+s6+$0x30 ss:$0x1], $0xffff;
	s23 =	sshra.s32 s20, $0x2  }
0x136: {  	s14 =	simm.s32 $0x800;
	(v2sf) =	vpush v19, $0x0;
	s24 =	sshrl.u32 s21, $0x2;
	s18 =	sadd.s32 $0x400, s21;
	v10 =	vld.idx.msk [tilespmem:v5+s23+$0x30 ss:$0x1], $0xffff;
	v20 =	vperm.xlane v7, v0  }
0x137: {  	s15 =	simm.s32 $0x600;
	v15 =	vmul.f32 v15, v14;
	s6 =	sadd.s32 s24, s31;
	v13 =	vld.idx.msk [tilespmem:v5+s23+$0x0 ss:$0x1], $0xffff;
	s18 =	sshra.s32 s18, $0x2  }
0x138: {  	s12 =	simm.s32 $0x1;
	s13 =	simm.s32 $0xA00;
	v21 =	vmul.f32 v12, v11;
	s6 =	sadd.s32 $0x100, s6;
	v9 =	vmul.f32 v9, v18;
	v14 =	vld.idx.msk [tilespmem:v6+s18+$0x0 ss:$0x1], $0xffff;
	v18 =	vadd.f32 v7, v20  }
0x139: {  	s17 =	simm.s32 $0xC00;
	s16 =	sshrl.u32 s16, $0x2;
	s20 =	spop (v2sf);
	v11 =	vld [tilespmem:s6+$0x20]  }
0x13a: {  	s16 =	sadd.s32 s16, s29;
	s21 =	simm.s32 $0x180;
	(v2sf) =	vpush v22, $0x0;
	v12 =	vld [tilespmem:s6+$0x10];
	s25 =	spop (v2sf);
	v9 =	vadd.f32 v9, v21;
	v20 =	vperm.xlane v18, v1  }
0x13b: {  	s16 =	sadd.s32 $0x100, s16;
	s24 =	sand.u32 $0x1, s20;
	v21 =	vld [tilespmem:s5+$0x0];
	s6 =	sand.u32 $0x1, s25  }
0x13c: {  	v17 =	vld [tilespmem:s16+$0x10];
	s20 =	sadd.s32 $0x1, s5;
	v16 =	vmul.f32 v16, v8;
	s23 =	sshll.u32 s6, $0x8;
	s6 =	sshll.u32 s24, $0x8;
	v23 =	vadd.f32 v15, v9;
	v15 =	vadd.f32 v18, v20  }
0x13d: {  	v19 =	vld [tilespmem:s16+$0x20];
	v7 =	vimm.f32 $0.0e+00;
	v8 =	vmov s12;
	s25 =	sadd.s32 $0x600, s6;
	s24 =	sshrl.u32 s23, $0x2;
	s5 =	sshrl.u32 s6, $0x2  }
0x13e: {  	v9 =	vmov s28;
	s25 =	sshra.s32 s25, $0x2;
	s24 =	sadd.s32 s24, s31;
	s16 =	sadd.s32 s5, s29;
	v18 =	vld.idx.msk [tilespmem:v6+s18+$0x30 ss:$0x1], $0xffff;
	v16 =	vadd.f32 v16, v23;
	v20 =	vperm.xlane v15, v2  }
.LBB2_13:
0x13f: {  	s1 =	sadd.s32 $0x1, s1;
	s5 =	sadd.s32 s23, s15;
	s6 =	sadd.s32 s21, s16  }
0x140: {  	(v2sf) =	vpush v21, $0x0;
	v22 =	vld.idx.msk [tilespmem:v5+s25+$0x30 ss:$0x1], $0xffff;
	s15 =	smov.u32 s14;
	s14 =	smov.u32 s13;
	s13 =	smov.u32 s17  }
0x141: {  	p0 =	sne.s32 s17, $0x1E00;
	s17 =	sadd.s32 $0x200, s17;
	v21 =	vperm.xlane v16, v0;
	v23 =	vld.idx.msk [tilespmem:v5+s25+$0x0 ss:$0x1], $0xffff;
	v15 =	vadd.f32 v15, v20  }
0x142: {  	s18 =	sadd.s32 s21, s24;
	v13 =	vmul.f32 v13, v14;
	v20 =	vld [tilespmem:s1+$0x0];
	s16 =	spop (v2sf);
	v14 =	vmul.f32 v17, v12  }
0x143: {  	v16 =	vadd.f32 v16, v21;
	v17 =	vmul.f32 v19, v11;
	v11 =	vld [tilespmem:s18+$0x20];
	v19 =	vperm.xlane v15, v3  }
0x144: {  	s12 =	sadd.s32 $0x1, s12;
	v12 =	vld [tilespmem:s18+$0x10];
	v26 =	vadd.f32 v14, v13  }
.Ltmp5:
0x145: {  	s5 =	sshra.s32 s5, $0x2;
	v18 =	vmul.f32 v10, v18;
	v24 =	vperm.xlane v16, v1;
	v21 =	vld [tilespmem:s20+$0x0];
	s18 =	spop (v2sf);
	v19 =	vadd.f32 v15, v19;
	(pc) =	sbr.rel @p0 .LBB2_13-.Ltmp5, $4  }
0x146: {  	vm0 =	veq.s32 v9, v4;
	v9 =	vmovc v8;
	s21 =	sshra.s32 s15, $0x2;
	v8 =	vmov s12;
	s16 =	sand.u32 $0x1, s16;
	v10 =	vmovc v22;
	s18 =	sand.u32 $0x1, s18;
	v14 =	vld.idx.msk [tilespmem:v6+s5+$0x0 ss:$0x1], $0xffff;
	v25 =	vadd.f32 v17, v26  }
0x147: {  	s16 =	sshll.u32 s16, $0x8;
	s20 =	sadd.s32 $0x1, s20;
	v15 =	vadd.f32 v16, v24;
	v13 =	vmovc v23;
	(v2sf) =	vpush v20, $0x0;
	s23 =	sshll.u32 s18, $0x8;
	v17 =	vld [tilespmem:s6+$0x10];
	v7 =	vsel vm0, v19, v7  }
0x148: {  	s18 =	sadd.s32 s16, s15;
	s16 =	sshrl.u32 s16, $0x2;
	s24 =	sshrl.u32 s23, $0x2;
	v19 =	vld [tilespmem:s6+$0x20];
	v16 =	vadd.f32 v18, v25  }
0x149: {  	s25 =	sshra.s32 s18, $0x2;
	s16 =	sadd.s32 s16, s29;
	v20 =	vperm.xlane v15, v2;
	s24 =	sadd.s32 s24, s31;
	v18 =	vld.idx.msk [tilespmem:v6+s5+$0x30 ss:$0x1], $0xffff  }
0x14a: {  	_ =	sdelay $0x1  }
0x14b: {  	(v2sf) =	vpush v21, $0x0;
	_ =	sdelay $0x1  }
0x14c: {  	v57 =	vld.idx.msk [tilespmem:v5+s25+$0x30 ss:$0x1], $0xffff  }
0x14d: {  	v22 =	vld.idx.msk [tilespmem:v5+s25+$0x0 ss:$0x1], $0xffff;
	s1 =	sadd.s32 s21, s24  }
0x14e: {  	v23 =	vld [tilespmem:s1+$0x20]  }
0x14f: {  	s6 =	spop (v2sf);
	s17 =	sadd.s32 s21, s16;
	v24 =	vld [tilespmem:s1+$0x10]  }
0x150: {  	s5 =	sadd.s32 s23, s15;
	s6 =	sand.u32 $0x1, s6;
	v26 =	vld [tilespmem:s17+$0x10]  }
0x151: {  	s25 =	sshra.s32 s5, $0x2;
	v27 =	vld [tilespmem:s17+$0x20];
	s6 =	sshll.u32 s6, $0x8  }
0x152: {  	v25 =	vld.idx.msk [tilespmem:v6+s25+$0x0 ss:$0x1], $0xffff;
	s20 =	sadd.s32 s6, s14  }
0x153: {  	v28 =	vld.idx.msk [tilespmem:v6+s25+$0x30 ss:$0x1], $0xffff;
	s6 =	sshrl.u32 s6, $0x2;
	s16 =	sshra.s32 s20, $0x2;
	s18 =	spop (v2sf)  }
0x154: {  	s23 =	sshra.s32 s14, $0x2;
	s6 =	sadd.s32 s6, s29;
	v29 =	vld.idx.msk [tilespmem:v5+s16+$0x30 ss:$0x1], $0xffff;
	s15 =	sand.u32 $0x1, s18  }
0x155: {  	v30 =	vld.idx.msk [tilespmem:v5+s16+$0x0 ss:$0x1], $0xffff;
	s1 =	sadd.s32 s23, s6;
	s15 =	sshll.u32 s15, $0x8  }
0x156: {  	v34 =	vld [tilespmem:s1+$0x10];
	s21 =	sshrl.u32 s15, $0x2;
	s24 =	sadd.s32 s15, s14  }
0x157: {  	v35 =	vld [tilespmem:s1+$0x20];
	s5 =	sadd.s32 s21, s31;
	s14 =	sshra.s32 s24, $0x2;
	s25 =	spop (v2sf)  }
0x158: {  	s5 =	sadd.s32 s23, s5;
	v33 =	vld.idx.msk [tilespmem:v6+s14+$0x0 ss:$0x1], $0xffff;
	s17 =	sand.u32 $0x1, s25  }
0x159: {  	s21 =	sshra.s32 s13, $0x2;
	v31 =	vld [tilespmem:s5+$0x20];
	s6 =	sshll.u32 s17, $0x8;
	s16 =	spop (v2sf)  }
0x15a: {  	v32 =	vld [tilespmem:s5+$0x10];
	s18 =	sadd.s32 s6, s13;
	s6 =	sshrl.u32 s6, $0x2;
	s5 =	sand.u32 $0x1, s16  }
0x15b: {  	v36 =	vld.idx.msk [tilespmem:v6+s14+$0x30 ss:$0x1], $0xffff;
	s15 =	sshra.s32 s18, $0x2;
	s6 =	sadd.s32 s6, s29;
	s5 =	sshll.u32 s5, $0x8  }
0x15c: {  	v37 =	vld.idx.msk [tilespmem:v5+s15+$0x0 ss:$0x1], $0xffff;
	s1 =	sadd.s32 s21, s6;
	s20 =	sshrl.u32 s5, $0x2;
	s5 =	sadd.s32 s5, s13  }
0x15d: {  	v60 =	vld [tilespmem:s1+$0x10];
	s16 =	sadd.s32 s20, s31;
	s5 =	sshra.s32 s5, $0x2  }
0x15e: {  	v13 =	vmul.f32 v13, v14;
	v12 =	vmul.f32 v17, v12;
	s23 =	sadd.s32 s21, s16;
	v59 =	vld.idx.msk [tilespmem:v6+s5+$0x0 ss:$0x1], $0xffff  }
0x15f: {  	v61 =	vperm.xlane v16, v0;
	v58 =	vld [tilespmem:s23+$0x10]  }
0x160: {  	v11 =	vmul.f32 v19, v11;
	v12 =	vadd.f32 v12, v13;
	v63 =	vmul.f32 v22, v25;
	v25 =	vld [tilespmem:s1+$0x20]  }
0x161: {  	vm0 =	veq.s32 v9, v4;
	v16 =	vadd.f32 v16, v61;
	v26 =	vmul.f32 v26, v24;
	v62 =	vld [tilespmem:s23+$0x20]  }
0x162: {  	v10 =	vmul.f32 v10, v18;
	v11 =	vadd.f32 v11, v12;
	v27 =	vmul.f32 v27, v23;
	v5 =	vld.idx.msk [tilespmem:v5+s15+$0x30 ss:$0x1], $0xffff  }
0x163: {  	v12 =	vadd.f32 v26, v63;
	v30 =	vmul.f32 v30, v33;
	v33 =	vmul.f32 v34, v32;
	v6 =	vld.idx.msk [tilespmem:v6+s5+$0x30 ss:$0x1], $0xffff  }
0x164: {  	v10 =	vadd.f32 v10, v11;
	v17 =	vmul.f32 v37, v59;
	v13 =	vmul.f32 v60, v58  }
0x165: {  	v12 =	vadd.f32 v27, v12;
	v11 =	vadd.f32 v33, v30;
	v37 =	vmul.f32 v35, v31  }
0x166: {  	v34 =	vmul.f32 v57, v28;
	v18 =	vmul.f32 v25, v62;
	v13 =	vadd.f32 v13, v17  }
0x167: {  	v38 =	vperm.xlane v10, v0;
	v39 =	vmul.f32 v29, v36;
	v11 =	vadd.f32 v37, v11  }
0x168: {  	v12 =	vadd.f32 v34, v12;
	v5 =	vmul.f32 v5, v6;
	v6 =	vadd.f32 v18, v13  }
0x169: {  	vm11 =	veq.s32 v8, v4;
	v41 =	vperm.xlane v16, v1;
	v11 =	vadd.f32 v39, v11  }
0x16a: {  	v10 =	vadd.f32 v10, v38;
	v42 =	vperm.xlane v12, v0;
	v5 =	vadd.f32 v5, v6  }
0x16b: {  	v15 =	vadd.f32 v15, v20;
	v43 =	vadd.f32 v16, v41;
	v44 =	vperm.xlane v11, v0  }
0x16c: {  	v45 =	vperm.xlane v10, v1;
	v12 =	vadd.f32 v12, v42;
	v46 =	vperm.xlane v5, v0  }
0x16d: {  	v40 =	vperm.xlane v15, v3;
	v48 =	vperm.xlane v43, v2;
	v11 =	vadd.f32 v11, v44  }
0x16e: {  	v10 =	vadd.f32 v10, v45;
	v49 =	vperm.xlane v12, v1;
	v5 =	vadd.f32 v5, v46  }
0x16f: {  	v50 =	vadd.f32 v43, v48;
	v6 =	vadd.f32 v15, v40;
	v51 =	vperm.xlane v11, v1  }
0x170: {  	v12 =	vadd.f32 v12, v49;
	v15 =	vperm.xlane v10, v2;
	v52 =	vperm.xlane v5, v1  }
0x171: {  	s24 =	sadd.s32 $0x1, s12;
	v6 =	vsel vm0, v6, v7;
	v7 =	vperm.xlane v50, v3;
	v11 =	vadd.f32 v11, v51  }
0x172: {  	v47 =	vmov s24;
	v53 =	vperm.xlane v12, v2;
	v5 =	vadd.f32 v5, v52  }
0x173: {  	v10 =	vadd.f32 v10, v15;
	v7 =	vadd.f32 v50, v7;
	v54 =	vperm.xlane v11, v2  }
0x174: {  	vm12 =	veq.s32 v47, v4;
	v12 =	vadd.f32 v12, v53;
	v56 =	vperm.xlane v5, v2  }
0x175: {  	s1 =	sadd.s32 $0x1, s24;
	v55 =	vperm.xlane v10, v3;
	v6 =	vsel vm11, v7, v6;
	v7 =	vadd.f32 v11, v54  }
0x176: {  	v57 =	vmov s1;
	v59 =	vperm.xlane v12, v3;
	v5 =	vadd.f32 v5, v56  }
0x177: {  	s25 =	sshll.u32 s2, $0x4;
	s2 =	sadd.s32 $0x1, s2;
	s1 =	sadd.s32 $0x1, s1;
	vm13 =	veq.s32 v57, v4;
	v58 =	vadd.f32 v10, v55;
	v11 =	vperm.xlane v7, v3  }
0x178: {  	p0 =	sne.s32 s2, $0x8;
	v60 =	vmov s1;
	s1 =	sadd.s32 $0x1, s1;
	v61 =	vadd.f32 v12, v59;
	v62 =	vperm.xlane v5, v3  }
.Ltmp6:
0x179: {  	v63 =	vmov s1;
	v6 =	vsel vm12, v58, v6;
	v7 =	vadd.f32 v7, v11;
	(pc) =	sbr.rel @p0 .LBB2_12-.Ltmp6, $4  }
0x17a: {  	vm14 =	veq.s32 v60, v4;
	v6 =	vsel vm13, v61, v6;
	v5 =	vadd.f32 v5, v62  }
0x17b: {  	vm15 =	veq.s32 v63, v4;
	v6 =	vsel vm14, v7, v6  }
0x17c: {  	s30 =	sadd.s32 $0x10, s30;
	s1 =	sand.u32 $0x3FFFFFF0, s25;
	v5 =	vsel vm15, v5, v6  }
0x17d: {  	s0 =	sadd.s32 $0x10, s0;
	s29 =	sadd.s32 $0x800, s29;
	s31 =	sadd.s32 $0x800, s31;
	[tilespmem:s1+$0x10A00] =	vst v5  }
0x17e: {  	_ =	swait.ge [sflag:s22], $0x4000  }
0x17f: {  	[sflag:s22] =	ssyncset.done $0x0  }
0x180: {  	[sflag:s22] =	ssyncadd.s32 $0xFFFFC000  }
0x181: {  	s0 =	simm.s32 $0x0;
	_ =	swait.ge [sflag:s22], $0x4000  }
0x182: {  	s2 =	simm.s32 $0x8900;
	s28 =	simm.s32 $0x900;
	[sflag:s22] =	ssyncset.done $0x0  }
0x183: {  	s29 =	simm.s32 $0x180;
	s30 =	simm.s32 $0x400;
	[sflag:s22] =	ssyncadd.s32 $0xFFFFC000  }
.LBB2_16:
0x184: {  	v5 =	vld [tilespmem:s29+$0x0];
	_ =	sdelay $0x3  }
0x185: {  	v6 =	vld [tilespmem:s30+$0x0]  }
0x186: {  	(v2sf) =	vpush v5, $0x0;
	_ =	sdelay $0x2  }
0x187: {  	s1 =	sadd.s32 $0x1, s29  }
0x188: {  	s5 =	sadd.s32 $0x1, s30;
	v5 =	vld [tilespmem:s1+$0x0];
	(v2sf) =	vpush v6, $0x0  }
0x189: {  	v6 =	vld [tilespmem:s5+$0x0];
	_ =	sdelay $0x3  }
0x18a: {  	(v2sf) =	vpush v5, $0x0  }
0x18b: {  	(v2sf) =	vpush v6, $0x0;
	_ =	sdelay $0x2  }
0x18c: {  	s1 =	sadd.s32 $0x1, s1  }
0x18d: {  	v5 =	vld [tilespmem:s1+$0x0]  }
0x18e: {  	s5 =	sadd.s32 $0x1, s5;
	s6 =	spop (v2sf)  }
0x18f: {  	s1 =	sadd.s32 $0x1, s1;
	v6 =	vld [tilespmem:s5+$0x0];
	s6 =	sand.u32 $0x1, s6  }
0x190: {  	s5 =	sadd.s32 $0x1, s5;
	v8 =	vld [tilespmem:s1+$0x0];
	s6 =	sshll.u32 s6, $0x6  }
0x191: {  	s1 =	sadd.s32 $0x1, s1;
	v7 =	vld [tilespmem:s5+$0x0];
	s6 =	sadd.s32 s6, s28  }
0x192: {  	v17 =	vld [tilespmem:s1+$0x0];
	(v2sf) =	vpush v5, $0x0;
	s12 =	spop (v2sf);
	s6 =	sadd.s32 $0x0, s6  }
0x193: {  	s12 =	sand.u32 $0x1, s12;
	v5 =	vld [tilespmem:s6+$0x4020]  }
0x194: {  	(v2sf) =	vpush v6, $0x0;
	s12 =	sshll.u32 s12, $0x6;
	v9 =	vld [tilespmem:s6+$0x4000]  }
0x195: {  	s12 =	sadd.s32 s12, s2;
	v11 =	vld [tilespmem:s6+$0x4010]  }
0x196: {  	s12 =	sadd.s32 $0x0, s12;
	v14 =	vld [tilespmem:s6+$0x4030]  }
0x197: {  	s13 =	spop (v2sf);
	v10 =	vld [tilespmem:s12+$0x4010]  }
0x198: {  	s13 =	sand.u32 $0x1, s13;
	v12 =	vld [tilespmem:s12+$0x4000];
	s14 =	spop (v2sf)  }
0x199: {  	(v2sf) =	vpush v8, $0x0;
	v6 =	vld [tilespmem:s12+$0x4020];
	s13 =	sshll.u32 s13, $0x6;
	s15 =	sand.u32 $0x1, s14  }
0x19a: {  	s5 =	sadd.s32 $0x1, s5;
	v13 =	vld [tilespmem:s12+$0x4030];
	s13 =	sadd.s32 s13, s28;
	s16 =	sshll.u32 s15, $0x6  }
0x19b: {  	v15 =	vld [tilespmem:s5+$0x0];
	(v2sf) =	vpush v7, $0x0;
	s13 =	sadd.s32 $0x80, s13;
	s6 =	sadd.s32 s16, s2  }
0x19c: {  	v8 =	vld [tilespmem:s13+$0x4020];
	s6 =	sadd.s32 $0x80, s6  }
0x19d: {  	v7 =	vmul.f32 v10, v11;
	v9 =	vmul.f32 v12, v9;
	v10 =	vld [tilespmem:s6+$0x4020]  }
0x19e: {  	v12 =	vld [tilespmem:s13+$0x4000]  }
0x19f: {  	v5 =	vmul.f32 v6, v5;
	v11 =	vmul.f32 v13, v14;
	v13 =	vld [tilespmem:s6+$0x4030];
	v6 =	vadd.f32 v7, v9  }
0x1a0: {  	v7 =	vld [tilespmem:s6+$0x4010]  }
0x1a1: {  	v9 =	vld [tilespmem:s13+$0x4010];
	s17 =	spop (v2sf);
	v5 =	vadd.f32 v5, v6  }
0x1a2: {  	v6 =	vld [tilespmem:s6+$0x4000];
	s12 =	sand.u32 $0x1, s17  }
0x1a3: {  	s15 =	sadd.s32 $0x1, s5;
	v14 =	vld [tilespmem:s13+$0x4030];
	s18 =	spop (v2sf);
	s12 =	sshll.u32 s12, $0x6;
	v5 =	vadd.f32 v11, v5  }
0x1a4: {  	s17 =	sadd.s32 $0x1, s1;
	s20 =	sand.u32 $0x1, s18;
	v11 =	vld [tilespmem:s15+$0x0];
	s12 =	sadd.s32 s12, s28  }
0x1a5: {  	(v2sf) =	vpush v17, $0x0;
	v16 =	vld [tilespmem:s17+$0x0];
	s6 =	sshll.u32 s20, $0x6;
	s12 =	sadd.s32 $0x100, s12;
	v19 =	vperm.xlane v5, v0  }
0x1a6: {  	(v2sf) =	vpush v15, $0x0;
	s21 =	sadd.s32 s6, s2;
	v18 =	vld [tilespmem:s12+$0x4020]  }
0x1a7: {  	v7 =	vmul.f32 v7, v9;
	s5 =	sadd.s32 $0x100, s21;
	v9 =	vmul.f32 v6, v12;
	v6 =	vld [tilespmem:s12+$0x4000];
	v5 =	vadd.f32 v5, v19  }
0x1a8: {  	s23 =	spop (v2sf);
	v12 =	vld [tilespmem:s5+$0x4020]  }
0x1a9: {  	s14 =	simm.s32 $0x800;
	v8 =	vmul.f32 v10, v8;
	v10 =	vld [tilespmem:s12+$0x4010];
	s24 =	sand.u32 $0x1, s23;
	v9 =	vadd.f32 v7, v9;
	v19 =	vperm.xlane v5, v1  }
0x1aa: {  	s1 =	simm.s32 $0xA00;
	v17 =	vmul.f32 v13, v14;
	s25 =	spop (v2sf);
	v14 =	vld [tilespmem:s5+$0x4000];
	s6 =	sshll.u32 s24, $0x6  }
0x1ab: {  	s20 =	simm.s32 $0xC00;
	v7 =	vld [tilespmem:s5+$0x4010];
	s13 =	sand.u32 $0x1, s25;
	s6 =	sadd.s32 s6, s28;
	v9 =	vadd.f32 v8, v9;
	v13 =	vadd.f32 v5, v19  }
0x1ac: {  	s21 =	simm.s32 $0x180;
	s13 =	sshll.u32 s13, $0x6;
	v8 =	vld [tilespmem:s5+$0x4030];
	s31 =	sadd.s32 $0x180, s6;
	v5 =	vimm.f32 $0.0e+00  }
0x1ad: {  	s16 =	sadd.s32 s13, s2;
	s13 =	simm.s32 $0x0;
	v15 =	vadd.f32 v17, v9;
	v9 =	vmul.f32 v12, v18;
	v12 =	vld [tilespmem:s12+$0x4030];
	s12 =	simm.s32 $0x1;
	v17 =	vperm.xlane v13, v2  }
.LBB2_17:
0x1ae: {  	s17 =	sadd.s32 $0x1, s17;
	s15 =	sadd.s32 $0x1, s15;
	s5 =	sadd.s32 s21, s16  }
0x1af: {  	(v2sf) =	vpush v16, $0x0;
	v18 =	vld [tilespmem:s31+$0x4020];
	v19 =	vperm.xlane v15, v0;
	v13 =	vadd.f32 v13, v17;
	s6 =	smov.u32 s14;
	s14 =	smov.u32 s1;
	s1 =	smov.u32 s20  }
0x1b0: {  	p0 =	sne.s32 s20, $0x1E00;
	s20 =	sadd.s32 $0x200, s20;
	(v2sf) =	vpush v11, $0x0;
	v11 =	vld [tilespmem:s15+$0x0];
	v7 =	vmul.f32 v7, v10  }
0x1b1: {  	v16 =	vld [tilespmem:s17+$0x0];
	v10 =	vmul.f32 v14, v6;
	v14 =	vadd.f32 v15, v19;
	v15 =	vperm.xlane v13, v3  }
0x1b2: {  	v17 =	vmov s13;
	s13 =	smov.u32 s12;
	v19 =	vld [tilespmem:s5+$0x4020]  }
0x1b3: {  	v6 =	vld [tilespmem:s31+$0x4000];
	v20 =	vadd.f32 v7, v10;
	v21 =	vperm.xlane v14, v1;
	v15 =	vadd.f32 v13, v15  }
.Ltmp7:
0x1b4: {  	vm0 =	veq.s32 v17, v4;
	v12 =	vmul.f32 v8, v12;
	s16 =	spop (v2sf);
	v7 =	vld [tilespmem:s5+$0x4010];
	(pc) =	sbr.rel @p0 .LBB2_17-.Ltmp7, $4  }
0x1b5: {  	s16 =	sand.u32 $0x1, s16;
	s18 =	spop (v2sf);
	v10 =	vld [tilespmem:s31+$0x4010];
	v9 =	vadd.f32 v9, v20;
	v13 =	vadd.f32 v14, v21;
	v5 =	vsel vm0, v15, v5  }
0x1b6: {  	s16 =	sshll.u32 s16, $0x6;
	s18 =	sand.u32 $0x1, s18;
	v14 =	vld [tilespmem:s5+$0x4000]  }
0x1b7: {  	s21 =	sshra.s32 s6, $0x2;
	s23 =	sadd.s32 s16, s28;
	s6 =	sshll.u32 s18, $0x6;
	v8 =	vld [tilespmem:s5+$0x4030];
	v15 =	vadd.f32 v12, v9;
	v17 =	vperm.xlane v13, v2  }
0x1b8: {  	s12 =	sadd.s32 $0x1, s12;
	v9 =	vmul.f32 v19, v18;
	s16 =	sadd.s32 s6, s2;
	v12 =	vld [tilespmem:s31+$0x4030];
	s31 =	sadd.s32 s21, s23  }
0x1b9: {  	(v2sf) =	vpush v16, $0x0;
	_ =	sdelay $0x1  }
0x1ba: {  	(v2sf) =	vpush v11, $0x0;
	_ =	sdelay $0x1  }
0x1bb: {  	v56 =	vld [tilespmem:s31+$0x4020]  }
0x1bc: {  	v21 =	vld [tilespmem:s31+$0x4000]  }
0x1bd: {  	v22 =	vld [tilespmem:s31+$0x4010]  }
0x1be: {  	s5 =	sadd.s32 s21, s16;
	v23 =	vld [tilespmem:s31+$0x4030];
	s6 =	spop (v2sf)  }
0x1bf: {  	v57 =	vld [tilespmem:s5+$0x4020];
	s6 =	sand.u32 $0x1, s6  }
0x1c0: {  	v18 =	vld [tilespmem:s5+$0x4010];
	s6 =	sshll.u32 s6, $0x6  }
0x1c1: {  	s14 =	sshra.s32 s14, $0x2;
	v19 =	vld [tilespmem:s5+$0x4000];
	s6 =	sadd.s32 s6, s28  }
0x1c2: {  	v20 =	vld [tilespmem:s5+$0x4030];
	s18 =	spop (v2sf);
	s6 =	sadd.s32 s14, s6  }
0x1c3: {  	s5 =	sand.u32 $0x1, s18;
	v24 =	vld [tilespmem:s6+$0x4020]  }
0x1c4: {  	s5 =	sshll.u32 s5, $0x6;
	v26 =	vld [tilespmem:s6+$0x4000]  }
0x1c5: {  	s5 =	sadd.s32 s5, s2;
	v28 =	vld [tilespmem:s6+$0x4010]  }
0x1c6: {  	s5 =	sadd.s32 s14, s5;
	v31 =	vld [tilespmem:s6+$0x4030];
	s20 =	spop (v2sf)  }
0x1c7: {  	v25 =	vld [tilespmem:s5+$0x4020];
	s14 =	sand.u32 $0x1, s20  }
0x1c8: {  	v27 =	vld [tilespmem:s5+$0x4010];
	s15 =	spop (v2sf);
	s14 =	sshll.u32 s14, $0x6  }
0x1c9: {  	s1 =	sshra.s32 s1, $0x2;
	v29 =	vld [tilespmem:s5+$0x4000];
	s15 =	sand.u32 $0x1, s15;
	s14 =	sadd.s32 s14, s28  }
0x1ca: {  	v30 =	vld [tilespmem:s5+$0x4030];
	s15 =	sshll.u32 s15, $0x6;
	s21 =	sadd.s32 s1, s14  }
0x1cb: {  	s23 =	sadd.s32 s15, s2;
	v32 =	vld [tilespmem:s21+$0x4000]  }
0x1cc: {  	s1 =	sadd.s32 s1, s23;
	v60 =	vld [tilespmem:s21+$0x4010]  }
0x1cd: {  	v7 =	vmul.f32 v7, v10;
	v6 =	vmul.f32 v14, v6;
	v58 =	vld [tilespmem:s1+$0x4010]  }
0x1ce: {  	v61 =	vperm.xlane v15, v0;
	v13 =	vadd.f32 v13, v17;
	v62 =	vld [tilespmem:s1+$0x4000]  }
0x1cf: {  	v43 =	vmov s13;
	v6 =	vadd.f32 v7, v6;
	v8 =	vmul.f32 v8, v12;
	v7 =	vld [tilespmem:s21+$0x4020]  }
0x1d0: {  	v54 =	vmov s12;
	v59 =	vmul.f32 v18, v22;
	v19 =	vmul.f32 v19, v21;
	v63 =	vld [tilespmem:s1+$0x4020]  }
0x1d1: {  	v11 =	vmul.f32 v57, v56;
	v6 =	vadd.f32 v9, v6;
	v22 =	vmul.f32 v20, v23;
	v33 =	vld [tilespmem:s21+$0x4030]  }
0x1d2: {  	v14 =	vadd.f32 v59, v19;
	v28 =	vmul.f32 v27, v28;
	v29 =	vmul.f32 v29, v26;
	v23 =	vld [tilespmem:s1+$0x4030]  }
0x1d3: {  	v6 =	vadd.f32 v8, v6;
	v34 =	vmul.f32 v58, v60;
	v35 =	vmul.f32 v62, v32  }
0x1d4: {  	v11 =	vadd.f32 v11, v14;
	v36 =	vmul.f32 v25, v24;
	v14 =	vadd.f32 v28, v29  }
0x1d5: {  	v40 =	vperm.xlane v6, v0;
	v7 =	vmul.f32 v63, v7;
	v8 =	vadd.f32 v34, v35  }
0x1d6: {  	v9 =	vadd.f32 v22, v11;
	v38 =	vmul.f32 v30, v31;
	v11 =	vadd.f32 v36, v14  }
0x1d7: {  	v6 =	vadd.f32 v6, v40;
	v12 =	vmul.f32 v23, v33;
	v7 =	vadd.f32 v7, v8  }
0x1d8: {  	v15 =	vadd.f32 v15, v61;
	v42 =	vperm.xlane v9, v0;
	v11 =	vadd.f32 v38, v11  }
0x1d9: {  	vm0 =	veq.s32 v43, v4;
	v46 =	vperm.xlane v6, v1;
	v7 =	vadd.f32 v12, v7  }
0x1da: {  	v39 =	vperm.xlane v15, v1;
	v9 =	vadd.f32 v9, v42;
	v45 =	vperm.xlane v11, v0  }
0x1db: {  	vm11 =	veq.s32 v54, v4;
	v6 =	vadd.f32 v6, v46;
	v47 =	vperm.xlane v7, v0  }
0x1dc: {  	v41 =	vadd.f32 v15, v39;
	v48 =	vperm.xlane v9, v1;
	v11 =	vadd.f32 v11, v45  }
0x1dd: {  	v37 =	vperm.xlane v13, v3;
	v51 =	vperm.xlane v6, v2;
	v7 =	vadd.f32 v7, v47  }
0x1de: {  	v44 =	vperm.xlane v41, v2;
	v9 =	vadd.f32 v9, v48;
	v50 =	vperm.xlane v11, v1  }
0x1df: {  	v10 =	vadd.f32 v13, v37;
	v6 =	vadd.f32 v6, v51;
	v52 =	vperm.xlane v7, v1  }
0x1e0: {  	v53 =	vperm.xlane v9, v2;
	v8 =	vadd.f32 v41, v44;
	v11 =	vadd.f32 v11, v50  }
0x1e1: {  	v5 =	vsel vm0, v10, v5;
	v56 =	vperm.xlane v6, v3;
	v7 =	vadd.f32 v7, v52  }
0x1e2: {  	s24 =	sadd.s32 $0x1, s12;
	v9 =	vadd.f32 v9, v53;
	v49 =	vperm.xlane v8, v3;
	v55 =	vperm.xlane v11, v2  }
0x1e3: {  	v6 =	vadd.f32 v6, v56;
	v58 =	vmov s24;
	v57 =	vperm.xlane v7, v2  }
0x1e4: {  	s1 =	sadd.s32 $0x1, s24;
	v59 =	vperm.xlane v9, v3;
	v8 =	vadd.f32 v8, v49;
	v10 =	vadd.f32 v11, v55  }
0x1e5: {  	v60 =	vmov s1;
	s1 =	sadd.s32 $0x1, s1;
	vm12 =	veq.s32 v58, v4;
	v7 =	vadd.f32 v7, v57  }
0x1e6: {  	s31 =	sshll.u32 s0, $0x4;
	s0 =	sadd.s32 $0x1, s0;
	v61 =	vmov s1;
	v5 =	vsel vm11, v8, v5;
	v11 =	vperm.xlane v10, v3  }
0x1e7: {  	p0 =	sne.s32 s0, $0x8;
	v9 =	vadd.f32 v9, v59;
	v5 =	vsel vm12, v6, v5;
	v6 =	vperm.xlane v7, v3  }
.Ltmp8:
0x1e8: {  	vm13 =	veq.s32 v60, v4;
	s25 =	sadd.s32 $0x1, s1;
	vm14 =	veq.s32 v61, v4;
	v62 =	vadd.f32 v10, v11;
	(pc) =	sbr.rel @p0 .LBB2_16-.Ltmp8, $4  }
0x1e9: {  	v63 =	vmov s25;
	v5 =	vsel vm13, v9, v5;
	v6 =	vadd.f32 v7, v6  }
0x1ea: {  	vm15 =	veq.s32 v63, v4;
	v5 =	vsel vm14, v62, v5  }
0x1eb: {  	s29 =	sadd.s32 $0x10, s29;
	s1 =	sand.u32 $0x3FFFFFF0, s31;
	v5 =	vsel vm15, v6, v5  }
0x1ec: {  	s30 =	sadd.s32 $0x10, s30;
	s28 =	sadd.s32 $0x800, s28;
	s2 =	sadd.s32 $0x800, s2;
	[tilespmem:s1+$0x10A80] =	vst v5  }
0x1ed: {  	s26 =	sadd.s32 $0x1, s26  }
0x1ee: {  	p0 =	sne.s32 s26, s9  }
.Ltmp9:
0x1ef: {  	s0 =	simm.s32 $0x10900;
	(pc) =	sbr.rel @p0 .LBB2_1-.Ltmp9, $4  }
0x1f0: {  	[hbm4b:s7+s10] =	stream.strided.scatter [tilespmem:s0], [sflag:$0x3], $0x200, s8, s10, $0x38;
	[tilespmem:$0x10B00] =	vst v63  }
0x1f1: {  	_ =	swait.ge [sflag:s11], $0x200  }
0x1f2: {  	[sflag:s11] =	ssyncset.done $0x0  }
0x1f3: {  	[sflag:s11] =	ssyncadd.s32 $0xFFFFFE00  }
0x1f4: {  	_ =	sfence.sel $0x180000  }
0x1f5: {  	[bflag:$0x0] =	sbarrier.arrive $0xFFFF  }
0x1f6: {  	_ =	strace $0x90000047  }
0x1f7: {  	s0 =	stileid.u32;
	[bflag:$0x2] =	sbarrier.arrive $0xFFFF  }
0x1f8: {  	p0 =	sne.s32 s0, $0x0;
	s0 =	rddreg [dreg:$0x2]  }
0x1f9: {  	s0 =	sadd.s32 @!p0 $0x100000, s0  }
0x1fa: {  	[sflag:s0] =	ssyncadd.tile.s32 @!p0 $0x1;
	_ =	shalt  }
.Lfunc_end2:
_tile_overlayer_lowered:
.L_overlay_start_2:
0x1fb: {  	(tag) =	ssettag $0x2  }
0x1fc: {  	s0 =	rddreg [dreg:$0x0];
	s2 =	stileid.u32  }
0x1fd: {  	s1 =	rddreg [dreg:$0x1];
	p0 =	sne.s32 s2, $0x0  }
0x1fe: {  	s3 =	rddreg [dreg:$0x2];
	[bflag:$0x3] =	sbarrier.arrive $0xFFFF;
	s2 =	simm.s32 @!p0 $0x1C03  }
0x1ff: {  	[timem:s3], [sflag:s2] =	dma.local @!p0 [hbm:s0], s1  }
0x200: {  	s0 =	simm.s32 @!p0 $0x3  }
0x201: {  	_ =	swait.ge @!p0 [sflag:s0], s1  }
0x202: {  	s1 =	ssub.s32 @!p0 $0x0, s1;
	[sflag:s0] =	ssyncset.done @!p0 $0x0  }
0x203: {  	[sflag:s0] =	ssyncadd.s32 @!p0 s1  }
0x204: {  	[bflag:$0x3] =	sbarrier.arrive $0xFFFF  }
0x205: {  	_ =	shalt  }

</sc_bundles>
